<compile_context>
chip_gen: v7x
topology: tpu7x:2x2x1
jax: 0.10.2.dev20260603
libtpu: 0.0.44.dev20260713+nightly
codegen_flags: <defaults>
</compile_context>

<pallas_src>
import jax
import jax.numpy as jnp
from jax import lax
from jax.experimental import pallas as pl
from jax.experimental.pallas import tpu as pltpu
from jax.experimental.pallas import tpu_sc as plsc

N = 10000
D = 256
H = 128
NPAD = 10240
NC = 2
NS = 16
CHUNK = 128
STRIPE = NPAD // NS

_mesh = plsc.VectorSubcoreMesh(core_axis_name="c", subcore_axis_name="s")


def _deg_body(dst_hbm, ones_hbm, zeros_hbm, deg_hbm,
              dstv, onesv, deg_spmem, sem):
    c = lax.axis_index("c")
    s = lax.axis_index("s")
    wid = c * NS + s
    pltpu.sync_copy(dst_hbm.at[wid], dstv)
    pltpu.sync_copy(ones_hbm, onesv)
    pltpu.sync_copy(zeros_hbm, deg_spmem.at[pl.ds(s * STRIPE, STRIPE)])
    plsc.subcore_barrier()

    n_chunks = dstv.shape[0]

    def chunk(g, carry):
        pltpu.sync_copy(onesv, deg_spmem.at[dstv.at[g]], add=True)
        return carry

    lax.fori_loop(0, n_chunks, chunk, 0)
    plsc.subcore_barrier()
    pltpu.sync_copy(deg_spmem.at[pl.ds(s * STRIPE, STRIPE)],
                    deg_hbm.at[c, pl.ds(s * STRIPE, STRIPE)])


def _make_deg_kernel(n_chunks):
    return pl.kernel(
        _deg_body,
        out_type=jax.ShapeDtypeStruct((NC, NPAD, H), jnp.float32),
        mesh=_mesh,
        scratch_types=[
            pltpu.VMEM((n_chunks, CHUNK), jnp.int32),
            pltpu.VMEM((CHUNK, H), jnp.float32),
            pltpu.VMEM_SHARED((NPAD, H), jnp.float32),
            pltpu.SemaphoreType.DMA,
        ],
    )


def _agg_body(src_hbm, dst_hbm, h20_hbm, h21_hbm, zeros_hbm,
              agg0_hbm, agg1_hbm, srcv, dstv, rows0, rows1, agg_spmem,
              sem0, sem1):
    c = lax.axis_index("c")
    s = lax.axis_index("s")
    pltpu.sync_copy(zeros_hbm, agg_spmem.at[pl.ds(s * STRIPE, STRIPE)])
    plsc.subcore_barrier()

    per_phase = srcv.shape[0]
    n_phases = src_hbm.shape[1] // per_phase
    n_pairs = per_phase // 2

    def run(table_hbm, out_hbm):
        for ph in range(n_phases):
            pltpu.sync_copy(src_hbm.at[s, pl.ds(ph * per_phase, per_phase)],
                            srcv)
            pltpu.sync_copy(dst_hbm.at[s, pl.ds(ph * per_phase, per_phase)],
                            dstv)
            pltpu.async_copy(table_hbm.at[srcv.at[0]], rows0, sem0)

            def pair(p, carry):
                g0 = p * 2
                g1 = g0 + 1
                pltpu.async_copy(table_hbm.at[srcv.at[g1]], rows1, sem1)
                pltpu.make_async_copy(table_hbm.at[srcv.at[g0]], rows0,
                                      sem0).wait()
                pltpu.sync_copy(rows0, agg_spmem.at[dstv.at[g0]], add=True)

                @pl.when(g0 + 2 < per_phase)
                def _():
                    pltpu.async_copy(table_hbm.at[srcv.at[g0 + 2]], rows0,
                                     sem0)

                pltpu.make_async_copy(table_hbm.at[srcv.at[g1]], rows1,
                                      sem1).wait()
                pltpu.sync_copy(rows1, agg_spmem.at[dstv.at[g1]], add=True)
                return carry

            lax.fori_loop(0, n_pairs, pair, 0)

        plsc.subcore_barrier()
        pltpu.sync_copy(agg_spmem.at[pl.ds(s * STRIPE, STRIPE)],
                        out_hbm.at[pl.ds(s * STRIPE, STRIPE)])

    @pl.when(c == 0)
    def _():
        run(h20_hbm, agg0_hbm)

    @pl.when(c == 1)
    def _():
        run(h21_hbm, agg1_hbm)


def _make_agg_kernel(n_chunks):
    per_phase = n_chunks // 2
    assert per_phase % 2 == 0 and n_chunks % per_phase == 0
    return pl.kernel(
        _agg_body,
        out_type=[jax.ShapeDtypeStruct((NPAD, H), jnp.float32),
                  jax.ShapeDtypeStruct((NPAD, H), jnp.float32)],
        mesh=_mesh,
        scratch_types=[
            pltpu.VMEM((per_phase, CHUNK), jnp.int32),
            pltpu.VMEM((per_phase, CHUNK), jnp.int32),
            pltpu.VMEM((CHUNK, H), jnp.float32),
            pltpu.VMEM((CHUNK, H), jnp.float32),
            pltpu.VMEM_SHARED((NPAD, H), jnp.float32),
            pltpu.SemaphoreType.DMA,
            pltpu.SemaphoreType.DMA,
        ],
    )


_BLK = 1000


def _h2_body(x_ref, w_ref, deg_ref, h20_ref, h21_ref):
    d = deg_ref[0, :, 0:1] + deg_ref[1, :, 0:1] + 1.0
    dinv = lax.rsqrt(d)
    h = jnp.dot(x_ref[...], w_ref[...], preferred_element_type=jnp.float32)
    h2 = h * dinv
    h20_ref[...] = h2[:, :H]
    h21_ref[...] = h2[:, H:]


def _h2_call(x, W, deg):
    grid = (N // _BLK,)
    return pl.pallas_call(
        _h2_body,
        grid=grid,
        in_specs=[
            pl.BlockSpec((_BLK, D), lambda i: (i, 0)),
            pl.BlockSpec((D, D), lambda i: (0, 0)),
            pl.BlockSpec((NC, _BLK, H), lambda i: (0, i, 0)),
        ],
        out_specs=[
            pl.BlockSpec((_BLK, H), lambda i: (i, 0)),
            pl.BlockSpec((_BLK, H), lambda i: (i, 0)),
        ],
        out_shape=[jax.ShapeDtypeStruct((N, H), jnp.float32),
                   jax.ShapeDtypeStruct((N, H), jnp.float32)],
    )(x, W, deg)


def _final_body(x_ref, agg0_ref, agg1_ref, h20_ref, h21_ref,
                deg_ref, b_ref, out_ref):
    d = deg_ref[0, :, 0:1] + deg_ref[1, :, 0:1] + 1.0
    dinv = lax.rsqrt(d)
    t0 = (agg0_ref[...] + h20_ref[...]) * dinv + b_ref[:, :H]
    t1 = (agg1_ref[...] + h21_ref[...]) * dinv + b_ref[:, H:]
    out_ref[:, :H] = x_ref[:, :H] + jnp.maximum(t0, 0.0)
    out_ref[:, H:] = x_ref[:, H:] + jnp.maximum(t1, 0.0)


def _final_call(x, agg0, agg1, h20, h21, deg, b2):
    grid = (N // _BLK,)
    return pl.pallas_call(
        _final_body,
        grid=grid,
        in_specs=[
            pl.BlockSpec((_BLK, D), lambda i: (i, 0)),
            pl.BlockSpec((_BLK, H), lambda i: (i, 0)),
            pl.BlockSpec((_BLK, H), lambda i: (i, 0)),
            pl.BlockSpec((_BLK, H), lambda i: (i, 0)),
            pl.BlockSpec((_BLK, H), lambda i: (i, 0)),
            pl.BlockSpec((NC, _BLK, H), lambda i: (0, i, 0)),
            pl.BlockSpec((1, D), lambda i: (0, 0)),
        ],
        out_specs=pl.BlockSpec((_BLK, D), lambda i: (i, 0)),
        out_shape=jax.ShapeDtypeStruct((N, D), jnp.float32),
    )(x, agg0, agg1, h20, h21, deg, b2)


def kernel(x, edge_index, W, b):
    E = edge_index.shape[1]
    epad = -(-E // (NC * NS * CHUNK)) * (NC * NS * CHUNK)
    npad_e = epad - E

    src = edge_index[0].astype(jnp.int32)
    dst = edge_index[1].astype(jnp.int32)
    pad_ids = jnp.arange(npad_e, dtype=jnp.int32)
    src_p = jnp.concatenate([src, pad_ids % N])
    dst_p = jnp.concatenate([dst, N + pad_ids % (NPAD - N)])

    dst_a = dst_p.reshape(NC * NS, -1, CHUNK)
    src_c = src_p.reshape(NS, -1, CHUNK)
    dst_c = dst_p.reshape(NS, -1, CHUNK)

    onesH = jnp.ones((CHUNK, H), jnp.float32)
    zerosH = jnp.zeros((STRIPE, H), jnp.float32)

    deg = _make_deg_kernel(dst_a.shape[1])(dst_a, onesH, zerosH)
    h20, h21 = _h2_call(x, W, deg)
    agg0, agg1 = _make_agg_kernel(src_c.shape[1])(src_c, dst_c, h20, h21, zerosH)
    out = _final_call(x, agg0, agg1, h20, h21, deg, b.reshape(1, D))
    return out

# --- scband reference (transcript-rebuilt; emitter-appended) ---
"""Pipeline reference for scband-iresgnn-block-5394478923810 (READ-ONLY COPY).

The authoritative reference and input builder live on the scoring server;
editing this copy changes nothing except your own understanding.
"""

import jax, jax.numpy as jnp
import numpy as np

N_NODES = 10000
D_FEAT = 256
N_EDGES = 160000


def setup_inputs(seed: int = 0) -> dict:
    key = jax.random.key(seed)
    k_x, k_ei, k_w, k_b = jax.random.split(key, 4)
    x = jax.random.normal(k_x, (N_NODES, D_FEAT), dtype=jnp.float32)
    edge_index = jax.random.randint(k_ei, (2, N_EDGES), 0, N_NODES, dtype=jnp.int64)
    # GCNConv learned parameters (spectral-normalized weight is a fixed matrix at eval)
    W = jax.random.normal(k_w, (D_FEAT, D_FEAT), dtype=jnp.float32) * (1.0 / np.sqrt(D_FEAT))
    b = jax.random.normal(k_b, (D_FEAT,), dtype=jnp.float32) * 0.01
    return {"x": x, "edge_index": edge_index, "W": W, "b": b}


def _gcn_conv(x, edge_index, W, b, num_nodes):
    # PyG GCNConv: add self-loops, symmetric normalization D^-1/2 A D^-1/2, linear, aggregate, bias
    src = edge_index[0]
    dst = edge_index[1]
    loop = jnp.arange(num_nodes, dtype=edge_index.dtype)
    src = jnp.concatenate([src, loop])
    dst = jnp.concatenate([dst, loop])
    deg = jnp.zeros((num_nodes,), dtype=x.dtype).at[dst].add(1.0)
    dinv = jnp.where(deg > 0, jax.lax.rsqrt(deg), 0.0)
    norm = dinv[src] * dinv[dst]
    h = x @ W
    msg = jnp.take(h, src, axis=0) * norm[:, None]
    out = jnp.zeros_like(h).at[dst].add(msg)
    return out + b


def reference(x, edge_index, W, b):
    # forward: x + relu(GCNConv(x, edge_index))
    Fx = jax.nn.relu(_gcn_conv(x, edge_index, W, b, x.shape[0]))
    return x + Fx

if __name__ == "__main__":
    import jax
    _d = setup_inputs()
    print(jax.jit(kernel)(*tuple(_d.values())))

</pallas_src>

<mosaic_0001>
#map = affine_map<(d0, d1) -> (0, 0, 0)>
#map1 = affine_map<(d0, d1) -> (0, 0)>
module attributes {stable_mosaic.version = 14 : i64} {
  func.func @_deg_body(%arg0: i32, %arg1: i32, %arg2: memref<32x40x128xi32, #tpu.memory_space<hbm>>, %arg3: memref<128x128xf32, #tpu.memory_space<hbm>>, %arg4: memref<640x128xf32, #tpu.memory_space<hbm>>, %arg5: memref<2x10240x128xf32, #tpu.memory_space<hbm>>, %arg6: memref<40x128xi32, #tpu.memory_space<vmem>>, %arg7: memref<128x128xf32, #tpu.memory_space<vmem>>, %arg8: memref<10240x128xf32, #tpu.memory_space<vmem_shared>>, %arg9: memref<!tpu.dma_semaphore, #tpu.memory_space<semaphore_mem>>) attributes {dimension_semantics = [#tpu.dimension_semantics<core_parallel>, #tpu.dimension_semantics<subcore_parallel>], iteration_bounds = array<i64: 2, 16>, scalar_prefetch = 0 : i64, scratch_operands = 4 : i64, tpu.core_type = #tpu.core_type<sc_vector_subcore>, window_params = [{transform_indices = #map}, {transform_indices = #map1}, {transform_indices = #map1}, {transform_indices = #map}]} {
    %mul3A = arith.constant 16 : i32
    %mul3A_0 = arith.muli %arg0, %mul3A : i32
    %add3A = arith.addi %mul3A_0, %arg1 : i32
    "tpu.region"() ({
      %run_scoped3A = tpu.sem_alloc : memref<!tpu.dma_semaphore, #tpu.memory_space<semaphore_mem>>
      %dma_start3A = arith.constant 0 : i32
      %dma_start3A_13 = arith.constant 0 : i32
      %dma_start3A_14 = tpu.memref_slice %arg2[%add3A, %dma_start3A, %dma_start3A_13] : memref<32x40x128xi32, #tpu.memory_space<hbm>> -> memref<1x40x128xi32, #tpu.memory_space<hbm>>
      %dma_start3A_15 = tpu.memref_squeeze %dma_start3A_14 : memref<1x40x128xi32, #tpu.memory_space<hbm>> -> memref<40x128xi32, #tpu.memory_space<hbm>>
      %dma_start3A_16 = arith.constant 0 : i32
      %dma_start3A_17 = arith.constant 0 : i32
      %dma_start3A_18 = tpu.memref_slice %arg2[%add3A, %dma_start3A_16, %dma_start3A_17] : memref<32x40x128xi32, #tpu.memory_space<hbm>> -> memref<1x40x128xi32, #tpu.memory_space<hbm>>
      %dma_start3A_19 = tpu.memref_squeeze %dma_start3A_18 : memref<1x40x128xi32, #tpu.memory_space<hbm>> -> memref<40x128xi32, #tpu.memory_space<hbm>>
      tpu.enqueue_dma source(%dma_start3A_19 : memref<40x128xi32, #tpu.memory_space<hbm>>) target(%arg6 : memref<40x128xi32, #tpu.memory_space<vmem>>) target_semaphore(%run_scoped3A : memref<!tpu.dma_semaphore, #tpu.memory_space<semaphore_mem>>)
      %dma_wait3A = arith.constant 0 : i32
      %dma_wait3A_20 = arith.constant 0 : i32
      %dma_wait3A_21 = tpu.memref_slice %arg2[%add3A, %dma_wait3A, %dma_wait3A_20] : memref<32x40x128xi32, #tpu.memory_space<hbm>> -> memref<1x40x128xi32, #tpu.memory_space<hbm>>
      %dma_wait3A_22 = tpu.memref_squeeze %dma_wait3A_21 : memref<1x40x128xi32, #tpu.memory_space<hbm>> -> memref<40x128xi32, #tpu.memory_space<hbm>>
      %dma_wait3A_23 = arith.constant 0 : i32
      %dma_wait3A_24 = arith.constant 0 : i32
      %dma_wait3A_25 = tpu.memref_slice %arg2[%add3A, %dma_wait3A_23, %dma_wait3A_24] : memref<32x40x128xi32, #tpu.memory_space<hbm>> -> memref<1x40x128xi32, #tpu.memory_space<hbm>>
      %dma_wait3A_26 = tpu.memref_squeeze %dma_wait3A_25 : memref<1x40x128xi32, #tpu.memory_space<hbm>> -> memref<40x128xi32, #tpu.memory_space<hbm>>
      tpu.wait_dma2 semaphore(%run_scoped3A : memref<!tpu.dma_semaphore, #tpu.memory_space<semaphore_mem>>) src(%dma_wait3A_26 : memref<40x128xi32, #tpu.memory_space<hbm>>) dst(%arg6 : memref<40x128xi32, #tpu.memory_space<vmem>>)
      tpu.yield
    }) : () -> ()
    "tpu.region"() ({
      %run_scoped3A = tpu.sem_alloc : memref<!tpu.dma_semaphore, #tpu.memory_space<semaphore_mem>>
      tpu.enqueue_dma source(%arg3 : memref<128x128xf32, #tpu.memory_space<hbm>>) target(%arg7 : memref<128x128xf32, #tpu.memory_space<vmem>>) target_semaphore(%run_scoped3A : memref<!tpu.dma_semaphore, #tpu.memory_space<semaphore_mem>>)
      tpu.wait_dma2 semaphore(%run_scoped3A : memref<!tpu.dma_semaphore, #tpu.memory_space<semaphore_mem>>) src(%arg3 : memref<128x128xf32, #tpu.memory_space<hbm>>) dst(%arg7 : memref<128x128xf32, #tpu.memory_space<vmem>>)
      tpu.yield
    }) : () -> ()
    %mul3A_1 = arith.constant 640 : i32
    %mul3A_2 = arith.muli %arg1, %mul3A_1 : i32
    "tpu.region"() ({
      %run_scoped3A = tpu.sem_alloc : memref<!tpu.dma_semaphore, #tpu.memory_space<semaphore_mem>>
      %dma_start3A = arith.constant 0 : i32
      %dma_start3A_13 = tpu.memref_slice %arg8[%mul3A_2, %dma_start3A] : memref<10240x128xf32, #tpu.memory_space<vmem_shared>> -> memref<640x128xf32, #tpu.memory_space<vmem_shared>>
      tpu.enqueue_dma source(%arg4 : memref<640x128xf32, #tpu.memory_space<hbm>>) target(%dma_start3A_13 : memref<640x128xf32, #tpu.memory_space<vmem_shared>>) target_semaphore(%run_scoped3A : memref<!tpu.dma_semaphore, #tpu.memory_space<semaphore_mem>>)
      %dma_wait3A = arith.constant 0 : i32
      %dma_wait3A_14 = tpu.memref_slice %arg8[%mul3A_2, %dma_wait3A] : memref<10240x128xf32, #tpu.memory_space<vmem_shared>> -> memref<640x128xf32, #tpu.memory_space<vmem_shared>>
      tpu.wait_dma2 semaphore(%run_scoped3A : memref<!tpu.dma_semaphore, #tpu.memory_space<semaphore_mem>>) src(%arg4 : memref<640x128xf32, #tpu.memory_space<hbm>>) dst(%dma_wait3A_14 : memref<640x128xf32, #tpu.memory_space<vmem_shared>>)
      tpu.yield
    }) : () -> ()
    %barrier3A = arith.constant 0 : index
    tpu.barrier barrier_id(%barrier3A)
    %scan3A = arith.constant 0 : i32
    %scan3A_3 = arith.constant 0 : i32
    %scan3A_4 = arith.constant 40 : i32
    %scan3A_5 = arith.addi %scan3A_3, %scan3A_4 : i32
    %scan3A_6 = arith.constant 1 : i32
    scf.for %scan3A_13 = %scan3A_3 to %scan3A_5 step %scan3A_6  : i32 {
      "tpu.region"() ({
        %run_scoped3A = tpu.sem_alloc : memref<!tpu.dma_semaphore, #tpu.memory_space<semaphore_mem>>
        %dma_start3A = arith.constant 0 : i32
        %dma_start3A_14 = tpu.memref_slice %arg6[%scan3A_13, %dma_start3A] : memref<40x128xi32, #tpu.memory_space<vmem>> -> memref<1x128xi32, #tpu.memory_space<vmem>>
        %dma_start3A_15 = tpu.memref_squeeze %dma_start3A_14 : memref<1x128xi32, #tpu.memory_space<vmem>> -> memref<128xi32, #tpu.memory_space<vmem>>
        %dma_start3A_16 = arith.constant 0 : i32
        %dma_start3A_17 = arith.constant 0 : i32
        %dma_start3A_18 = tpu.memref_slice %arg8[%dma_start3A_16, %dma_start3A_17] : memref<10240x128xf32, #tpu.memory_space<vmem_shared>> -> memref<10240x128xf32, #tpu.memory_space<vmem_shared>>
        tpu.enqueue_indirect_dma source(%arg7 : memref<128x128xf32, #tpu.memory_space<vmem>>) target(%dma_start3A_18 : memref<10240x128xf32, #tpu.memory_space<vmem_shared>>) offsets(%dma_start3A_15 : memref<128xi32, #tpu.memory_space<vmem>>) semaphore(%run_scoped3A : memref<!tpu.dma_semaphore, #tpu.memory_space<semaphore_mem>>) {add = true}
        %dma_wait3A = arith.constant 0 : i32
        %dma_wait3A_19 = tpu.memref_slice %arg6[%scan3A_13, %dma_wait3A] : memref<40x128xi32, #tpu.memory_space<vmem>> -> memref<1x128xi32, #tpu.memory_space<vmem>>
        %dma_wait3A_20 = tpu.memref_squeeze %dma_wait3A_19 : memref<1x128xi32, #tpu.memory_space<vmem>> -> memref<128xi32, #tpu.memory_space<vmem>>
        %dma_wait3A_21 = arith.constant 0 : i32
        %dma_wait3A_22 = arith.constant 0 : i32
        %dma_wait3A_23 = tpu.memref_slice %arg8[%dma_wait3A_21, %dma_wait3A_22] : memref<10240x128xf32, #tpu.memory_space<vmem_shared>> -> memref<10240x128xf32, #tpu.memory_space<vmem_shared>>
        tpu.wait_indirect_dma semaphore(%run_scoped3A : memref<!tpu.dma_semaphore, #tpu.memory_space<semaphore_mem>>) src(%arg7 : memref<128x128xf32, #tpu.memory_space<vmem>>) dst(%dma_wait3A_23 : memref<10240x128xf32, #tpu.memory_space<vmem_shared>>)
        tpu.yield
      }) : () -> ()
    }
    %scan3A_7 = arith.constant 40 : i32
    %barrier3A_8 = arith.constant 0 : index
    tpu.barrier barrier_id(%barrier3A_8)
    %mul3A_9 = arith.constant 640 : i32
    %mul3A_10 = arith.muli %arg1, %mul3A_9 : i32
    %mul3A_11 = arith.constant 640 : i32
    %mul3A_12 = arith.muli %arg1, %mul3A_11 : i32
    "tpu.region"() ({
      %run_scoped3A = tpu.sem_alloc : memref<!tpu.dma_semaphore, #tpu.memory_space<semaphore_mem>>
      %dma_start3A = arith.constant 0 : i32
      %dma_start3A_13 = tpu.memref_slice %arg5[%arg0, %mul3A_12, %dma_start3A] : memref<2x10240x128xf32, #tpu.memory_space<hbm>> -> memref<1x640x128xf32, #tpu.memory_space<hbm>>
      %dma_start3A_14 = tpu.memref_squeeze %dma_start3A_13 : memref<1x640x128xf32, #tpu.memory_space<hbm>> -> memref<640x128xf32, #tpu.memory_space<hbm>>
      %dma_start3A_15 = arith.constant 0 : i32
      %dma_start3A_16 = tpu.memref_slice %arg8[%mul3A_10, %dma_start3A_15] : memref<10240x128xf32, #tpu.memory_space<vmem_shared>> -> memref<640x128xf32, #tpu.memory_space<vmem_shared>>
      tpu.enqueue_dma source(%dma_start3A_16 : memref<640x128xf32, #tpu.memory_space<vmem_shared>>) target(%dma_start3A_14 : memref<640x128xf32, #tpu.memory_space<hbm>>) target_semaphore(%run_scoped3A : memref<!tpu.dma_semaphore, #tpu.memory_space<semaphore_mem>>)
      %dma_wait3A = arith.constant 0 : i32
      %dma_wait3A_17 = tpu.memref_slice %arg5[%arg0, %mul3A_12, %dma_wait3A] : memref<2x10240x128xf32, #tpu.memory_space<hbm>> -> memref<1x640x128xf32, #tpu.memory_space<hbm>>
      %dma_wait3A_18 = tpu.memref_squeeze %dma_wait3A_17 : memref<1x640x128xf32, #tpu.memory_space<hbm>> -> memref<640x128xf32, #tpu.memory_space<hbm>>
      %dma_wait3A_19 = arith.constant 0 : i32
      %dma_wait3A_20 = tpu.memref_slice %arg8[%mul3A_10, %dma_wait3A_19] : memref<10240x128xf32, #tpu.memory_space<vmem_shared>> -> memref<640x128xf32, #tpu.memory_space<vmem_shared>>
      tpu.wait_dma2 semaphore(%run_scoped3A : memref<!tpu.dma_semaphore, #tpu.memory_space<semaphore_mem>>) src(%dma_wait3A_20 : memref<640x128xf32, #tpu.memory_space<vmem_shared>>) dst(%dma_wait3A_18 : memref<640x128xf32, #tpu.memory_space<hbm>>)
      tpu.yield
    }) : () -> ()
    return
  }
}

#map = affine_map<(d0, d1) -> (0, 0, 0)>
#map1 = affine_map<(d0, d1) -> (0, 0)>
module attributes {stable_mosaic.version = 14 : i64} {
  func.func @_agg_body(%arg0: i32, %arg1: i32, %arg2: memref<16x80x128xi32, #tpu.memory_space<hbm>>, %arg3: memref<16x80x128xi32, #tpu.memory_space<hbm>>, %arg4: memref<10000x128xf32, #tpu.memory_space<hbm>>, %arg5: memref<10000x128xf32, #tpu.memory_space<hbm>>, %arg6: memref<640x128xf32, #tpu.memory_space<hbm>>, %arg7: memref<10240x128xf32, #tpu.memory_space<hbm>>, %arg8: memref<10240x128xf32, #tpu.memory_space<hbm>>, %arg9: memref<40x128xi32, #tpu.memory_space<vmem>>, %arg10: memref<40x128xi32, #tpu.memory_space<vmem>>, %arg11: memref<128x128xf32, #tpu.memory_space<vmem>>, %arg12: memref<128x128xf32, #tpu.memory_space<vmem>>, %arg13: memref<10240x128xf32, #tpu.memory_space<vmem_shared>>, %arg14: memref<!tpu.dma_semaphore, #tpu.memory_space<semaphore_mem>>, %arg15: memref<!tpu.dma_semaphore, #tpu.memory_space<semaphore_mem>>) attributes {dimension_semantics = [#tpu.dimension_semantics<core_parallel>, #tpu.dimension_semantics<subcore_parallel>], iteration_bounds = array<i64: 2, 16>, scalar_prefetch = 0 : i64, scratch_operands = 7 : i64, tpu.core_type = #tpu.core_type<sc_vector_subcore>, window_params = [{transform_indices = #map}, {transform_indices = #map}, {transform_indices = #map1}, {transform_indices = #map1}, {transform_indices = #map1}, {transform_indices = #map1}, {transform_indices = #map1}]} {
    %mul3A = arith.constant 640 : i32
    %mul3A_0 = arith.muli %arg1, %mul3A : i32
    "tpu.region"() ({
      %run_scoped3A = tpu.sem_alloc : memref<!tpu.dma_semaphore, #tpu.memory_space<semaphore_mem>>
      %dma_start3A = arith.constant 0 : i32
      %dma_start3A_8 = tpu.memref_slice %arg13[%mul3A_0, %dma_start3A] : memref<10240x128xf32, #tpu.memory_space<vmem_shared>> -> memref<640x128xf32, #tpu.memory_space<vmem_shared>>
      tpu.enqueue_dma source(%arg6 : memref<640x128xf32, #tpu.memory_space<hbm>>) target(%dma_start3A_8 : memref<640x128xf32, #tpu.memory_space<vmem_shared>>) target_semaphore(%run_scoped3A : memref<!tpu.dma_semaphore, #tpu.memory_space<semaphore_mem>>)
      %dma_wait3A = arith.constant 0 : i32
      %dma_wait3A_9 = tpu.memref_slice %arg13[%mul3A_0, %dma_wait3A] : memref<10240x128xf32, #tpu.memory_space<vmem_shared>> -> memref<640x128xf32, #tpu.memory_space<vmem_shared>>
      tpu.wait_dma2 semaphore(%run_scoped3A : memref<!tpu.dma_semaphore, #tpu.memory_space<semaphore_mem>>) src(%arg6 : memref<640x128xf32, #tpu.memory_space<hbm>>) dst(%dma_wait3A_9 : memref<640x128xf32, #tpu.memory_space<vmem_shared>>)
      tpu.yield
    }) : () -> ()
    %barrier3A = arith.constant 0 : index
    tpu.barrier barrier_id(%barrier3A)
    %eq3A = arith.constant 0 : i32
    %eq3A_1 = arith.cmpi eq, %arg0, %eq3A : i32
    %convert_element_type3A = arith.extui %eq3A_1 : i1 to i32
    %cond3A = arith.constant 0 : i32
    %cond3A_2 = arith.cmpi ne, %convert_element_type3A, %cond3A : i32
    scf.if %cond3A_2 {
      "tpu.region"() ({
        %run_scoped3A = tpu.sem_alloc : memref<!tpu.dma_semaphore, #tpu.memory_space<semaphore_mem>>
        %dma_start3A_37 = arith.constant 0 : i32
        %dma_start3A_38 = arith.constant 0 : i32
        %dma_start3A_39 = tpu.memref_slice %arg2[%arg1, %dma_start3A_37, %dma_start3A_38] : memref<16x80x128xi32, #tpu.memory_space<hbm>> -> memref<1x40x128xi32, #tpu.memory_space<hbm>>
        %dma_start3A_40 = tpu.memref_squeeze %dma_start3A_39 : memref<1x40x128xi32, #tpu.memory_space<hbm>> -> memref<40x128xi32, #tpu.memory_space<hbm>>
        %dma_start3A_41 = arith.constant 0 : i32
        %dma_start3A_42 = arith.constant 0 : i32
        %dma_start3A_43 = tpu.memref_slice %arg2[%arg1, %dma_start3A_41, %dma_start3A_42] : memref<16x80x128xi32, #tpu.memory_space<hbm>> -> memref<1x40x128xi32, #tpu.memory_space<hbm>>
        %dma_start3A_44 = tpu.memref_squeeze %dma_start3A_43 : memref<1x40x128xi32, #tpu.memory_space<hbm>> -> memref<40x128xi32, #tpu.memory_space<hbm>>
        tpu.enqueue_dma source(%dma_start3A_44 : memref<40x128xi32, #tpu.memory_space<hbm>>) target(%arg9 : memref<40x128xi32, #tpu.memory_space<vmem>>) target_semaphore(%run_scoped3A : memref<!tpu.dma_semaphore, #tpu.memory_space<semaphore_mem>>)
        %dma_wait3A = arith.constant 0 : i32
        %dma_wait3A_45 = arith.constant 0 : i32
        %dma_wait3A_46 = tpu.memref_slice %arg2[%arg1, %dma_wait3A, %dma_wait3A_45] : memref<16x80x128xi32, #tpu.memory_space<hbm>> -> memref<1x40x128xi32, #tpu.memory_space<hbm>>
        %dma_wait3A_47 = tpu.memref_squeeze %dma_wait3A_46 : memref<1x40x128xi32, #tpu.memory_space<hbm>> -> memref<40x128xi32, #tpu.memory_space<hbm>>
        %dma_wait3A_48 = arith.constant 0 : i32
        %dma_wait3A_49 = arith.constant 0 : i32
        %dma_wait3A_50 = tpu.memref_slice %arg2[%arg1, %dma_wait3A_48, %dma_wait3A_49] : memref<16x80x128xi32, #tpu.memory_space<hbm>> -> memref<1x40x128xi32, #tpu.memory_space<hbm>>
        %dma_wait3A_51 = tpu.memref_squeeze %dma_wait3A_50 : memref<1x40x128xi32, #tpu.memory_space<hbm>> -> memref<40x128xi32, #tpu.memory_space<hbm>>
        tpu.wait_dma2 semaphore(%run_scoped3A : memref<!tpu.dma_semaphore, #tpu.memory_space<semaphore_mem>>) src(%dma_wait3A_51 : memref<40x128xi32, #tpu.memory_space<hbm>>) dst(%arg9 : memref<40x128xi32, #tpu.memory_space<vmem>>)
        tpu.yield
      }) : () -> ()
      "tpu.region"() ({
        %run_scoped3A = tpu.sem_alloc : memref<!tpu.dma_semaphore, #tpu.memory_space<semaphore_mem>>
        %dma_start3A_37 = arith.constant 0 : i32
        %dma_start3A_38 = arith.constant 0 : i32
        %dma_start3A_39 = tpu.memref_slice %arg3[%arg1, %dma_start3A_37, %dma_start3A_38] : memref<16x80x128xi32, #tpu.memory_space<hbm>> -> memref<1x40x128xi32, #tpu.memory_space<hbm>>
        %dma_start3A_40 = tpu.memref_squeeze %dma_start3A_39 : memref<1x40x128xi32, #tpu.memory_space<hbm>> -> memref<40x128xi32, #tpu.memory_space<hbm>>
        %dma_start3A_41 = arith.constant 0 : i32
        %dma_start3A_42 = arith.constant 0 : i32
        %dma_start3A_43 = tpu.memref_slice %arg3[%arg1, %dma_start3A_41, %dma_start3A_42] : memref<16x80x128xi32, #tpu.memory_space<hbm>> -> memref<1x40x128xi32, #tpu.memory_space<hbm>>
        %dma_start3A_44 = tpu.memref_squeeze %dma_start3A_43 : memref<1x40x128xi32, #tpu.memory_space<hbm>> -> memref<40x128xi32, #tpu.memory_space<hbm>>
        tpu.enqueue_dma source(%dma_start3A_44 : memref<40x128xi32, #tpu.memory_space<hbm>>) target(%arg10 : memref<40x128xi32, #tpu.memory_space<vmem>>) target_semaphore(%run_scoped3A : memref<!tpu.dma_semaphore, #tpu.memory_space<semaphore_mem>>)
        %dma_wait3A = arith.constant 0 : i32
        %dma_wait3A_45 = arith.constant 0 : i32
        %dma_wait3A_46 = tpu.memref_slice %arg3[%arg1, %dma_wait3A, %dma_wait3A_45] : memref<16x80x128xi32, #tpu.memory_space<hbm>> -> memref<1x40x128xi32, #tpu.memory_space<hbm>>
        %dma_wait3A_47 = tpu.memref_squeeze %dma_wait3A_46 : memref<1x40x128xi32, #tpu.memory_space<hbm>> -> memref<40x128xi32, #tpu.memory_space<hbm>>
        %dma_wait3A_48 = arith.constant 0 : i32
        %dma_wait3A_49 = arith.constant 0 : i32
        %dma_wait3A_50 = tpu.memref_slice %arg3[%arg1, %dma_wait3A_48, %dma_wait3A_49] : memref<16x80x128xi32, #tpu.memory_space<hbm>> -> memref<1x40x128xi32, #tpu.memory_space<hbm>>
        %dma_wait3A_51 = tpu.memref_squeeze %dma_wait3A_50 : memref<1x40x128xi32, #tpu.memory_space<hbm>> -> memref<40x128xi32, #tpu.memory_space<hbm>>
        tpu.wait_dma2 semaphore(%run_scoped3A : memref<!tpu.dma_semaphore, #tpu.memory_space<semaphore_mem>>) src(%dma_wait3A_51 : memref<40x128xi32, #tpu.memory_space<hbm>>) dst(%arg10 : memref<40x128xi32, #tpu.memory_space<vmem>>)
        tpu.yield
      }) : () -> ()
      %dma_start3A = arith.constant 0 : i32
      %dma_start3A_8 = arith.constant 0 : i32
      %dma_start3A_9 = tpu.memref_slice %arg9[%dma_start3A, %dma_start3A_8] : memref<40x128xi32, #tpu.memory_space<vmem>> -> memref<1x128xi32, #tpu.memory_space<vmem>>
      %dma_start3A_10 = tpu.memref_squeeze %dma_start3A_9 : memref<1x128xi32, #tpu.memory_space<vmem>> -> memref<128xi32, #tpu.memory_space<vmem>>
      %dma_start3A_11 = arith.constant 0 : i32
      %dma_start3A_12 = arith.constant 0 : i32
      %dma_start3A_13 = tpu.memref_slice %arg4[%dma_start3A_11, %dma_start3A_12] : memref<10000x128xf32, #tpu.memory_space<hbm>> -> memref<10000x128xf32, #tpu.memory_space<hbm>>
      tpu.enqueue_indirect_dma source(%dma_start3A_13 : memref<10000x128xf32, #tpu.memory_space<hbm>>) target(%arg11 : memref<128x128xf32, #tpu.memory_space<vmem>>) offsets(%dma_start3A_10 : memref<128xi32, #tpu.memory_space<vmem>>) semaphore(%arg14 : memref<!tpu.dma_semaphore, #tpu.memory_space<semaphore_mem>>)
      %scan3A = arith.constant 0 : i32
      %scan3A_14 = arith.constant 0 : i32
      %scan3A_15 = arith.constant 20 : i32
      %scan3A_16 = arith.addi %scan3A_14, %scan3A_15 : i32
      %scan3A_17 = arith.constant 1 : i32
      scf.for %scan3A_37 = %scan3A_14 to %scan3A_16 step %scan3A_17  : i32 {
        %mul3A_38 = arith.constant 2 : i32
        %mul3A_39 = arith.muli %scan3A_37, %mul3A_38 : i32
        %add3A = arith.constant 1 : i32
        %add3A_40 = arith.addi %mul3A_39, %add3A : i32
        %dma_start3A_41 = arith.constant 0 : i32
        %dma_start3A_42 = tpu.memref_slice %arg9[%add3A_40, %dma_start3A_41] : memref<40x128xi32, #tpu.memory_space<vmem>> -> memref<1x128xi32, #tpu.memory_space<vmem>>
        %dma_start3A_43 = tpu.memref_squeeze %dma_start3A_42 : memref<1x128xi32, #tpu.memory_space<vmem>> -> memref<128xi32, #tpu.memory_space<vmem>>
        %dma_start3A_44 = arith.constant 0 : i32
        %dma_start3A_45 = arith.constant 0 : i32
        %dma_start3A_46 = tpu.memref_slice %arg4[%dma_start3A_44, %dma_start3A_45] : memref<10000x128xf32, #tpu.memory_space<hbm>> -> memref<10000x128xf32, #tpu.memory_space<hbm>>
        tpu.enqueue_indirect_dma source(%dma_start3A_46 : memref<10000x128xf32, #tpu.memory_space<hbm>>) target(%arg12 : memref<128x128xf32, #tpu.memory_space<vmem>>) offsets(%dma_start3A_43 : memref<128xi32, #tpu.memory_space<vmem>>) semaphore(%arg15 : memref<!tpu.dma_semaphore, #tpu.memory_space<semaphore_mem>>)
        %dma_wait3A = arith.constant 0 : i32
        %dma_wait3A_47 = tpu.memref_slice %arg9[%mul3A_39, %dma_wait3A] : memref<40x128xi32, #tpu.memory_space<vmem>> -> memref<1x128xi32, #tpu.memory_space<vmem>>
        %dma_wait3A_48 = tpu.memref_squeeze %dma_wait3A_47 : memref<1x128xi32, #tpu.memory_space<vmem>> -> memref<128xi32, #tpu.memory_space<vmem>>
        %dma_wait3A_49 = arith.constant 0 : i32
        %dma_wait3A_50 = arith.constant 0 : i32
        %dma_wait3A_51 = tpu.memref_slice %arg4[%dma_wait3A_49, %dma_wait3A_50] : memref<10000x128xf32, #tpu.memory_space<hbm>> -> memref<10000x128xf32, #tpu.memory_space<hbm>>
        tpu.wait_indirect_dma semaphore(%arg14 : memref<!tpu.dma_semaphore, #tpu.memory_space<semaphore_mem>>) src(%dma_wait3A_51 : memref<10000x128xf32, #tpu.memory_space<hbm>>) dst(%arg11 : memref<128x128xf32, #tpu.memory_space<vmem>>)
        "tpu.region"() ({
          %run_scoped3A = tpu.sem_alloc : memref<!tpu.dma_semaphore, #tpu.memory_space<semaphore_mem>>
          %dma_start3A_64 = arith.constant 0 : i32
          %dma_start3A_65 = tpu.memref_slice %arg10[%mul3A_39, %dma_start3A_64] : memref<40x128xi32, #tpu.memory_space<vmem>> -> memref<1x128xi32, #tpu.memory_space<vmem>>
          %dma_start3A_66 = tpu.memref_squeeze %dma_start3A_65 : memref<1x128xi32, #tpu.memory_space<vmem>> -> memref<128xi32, #tpu.memory_space<vmem>>
          %dma_start3A_67 = arith.constant 0 : i32
          %dma_start3A_68 = arith.constant 0 : i32
          %dma_start3A_69 = tpu.memref_slice %arg13[%dma_start3A_67, %dma_start3A_68] : memref<10240x128xf32, #tpu.memory_space<vmem_shared>> -> memref<10240x128xf32, #tpu.memory_space<vmem_shared>>
          tpu.enqueue_indirect_dma source(%arg11 : memref<128x128xf32, #tpu.memory_space<vmem>>) target(%dma_start3A_69 : memref<10240x128xf32, #tpu.memory_space<vmem_shared>>) offsets(%dma_start3A_66 : memref<128xi32, #tpu.memory_space<vmem>>) semaphore(%run_scoped3A : memref<!tpu.dma_semaphore, #tpu.memory_space<semaphore_mem>>) {add = true}
          %dma_wait3A_70 = arith.constant 0 : i32
          %dma_wait3A_71 = tpu.memref_slice %arg10[%mul3A_39, %dma_wait3A_70] : memref<40x128xi32, #tpu.memory_space<vmem>> -> memref<1x128xi32, #tpu.memory_space<vmem>>
          %dma_wait3A_72 = tpu.memref_squeeze %dma_wait3A_71 : memref<1x128xi32, #tpu.memory_space<vmem>> -> memref<128xi32, #tpu.memory_space<vmem>>
          %dma_wait3A_73 = arith.constant 0 : i32
          %dma_wait3A_74 = arith.constant 0 : i32
          %dma_wait3A_75 = tpu.memref_slice %arg13[%dma_wait3A_73, %dma_wait3A_74] : memref<10240x128xf32, #tpu.memory_space<vmem_shared>> -> memref<10240x128xf32, #tpu.memory_space<vmem_shared>>
          tpu.wait_indirect_dma semaphore(%run_scoped3A : memref<!tpu.dma_semaphore, #tpu.memory_space<semaphore_mem>>) src(%arg11 : memref<128x128xf32, #tpu.memory_space<vmem>>) dst(%dma_wait3A_75 : memref<10240x128xf32, #tpu.memory_space<vmem_shared>>)
          tpu.yield
        }) : () -> ()
        %add3A_52 = arith.constant 2 : i32
        %add3A_53 = arith.addi %mul3A_39, %add3A_52 : i32
        %lt3A = arith.constant 40 : i32
        %lt3A_54 = arith.cmpi slt, %add3A_53, %lt3A : i32
        %convert_element_type3A_55 = arith.extui %lt3A_54 : i1 to i32
        %cond3A_56 = arith.constant 0 : i32
        %cond3A_57 = arith.cmpi ne, %convert_element_type3A_55, %cond3A_56 : i32
        scf.if %cond3A_57 {
          %add3A_64 = arith.constant 2 : i32
          %add3A_65 = arith.addi %mul3A_39, %add3A_64 : i32
          %dma_start3A_66 = arith.constant 0 : i32
          %dma_start3A_67 = tpu.memref_slice %arg9[%add3A_65, %dma_start3A_66] : memref<40x128xi32, #tpu.memory_space<vmem>> -> memref<1x128xi32, #tpu.memory_space<vmem>>
          %dma_start3A_68 = tpu.memref_squeeze %dma_start3A_67 : memref<1x128xi32, #tpu.memory_space<vmem>> -> memref<128xi32, #tpu.memory_space<vmem>>
          %dma_start3A_69 = arith.constant 0 : i32
          %dma_start3A_70 = arith.constant 0 : i32
          %dma_start3A_71 = tpu.memref_slice %arg4[%dma_start3A_69, %dma_start3A_70] : memref<10000x128xf32, #tpu.memory_space<hbm>> -> memref<10000x128xf32, #tpu.memory_space<hbm>>
          tpu.enqueue_indirect_dma source(%dma_start3A_71 : memref<10000x128xf32, #tpu.memory_space<hbm>>) target(%arg11 : memref<128x128xf32, #tpu.memory_space<vmem>>) offsets(%dma_start3A_68 : memref<128xi32, #tpu.memory_space<vmem>>) semaphore(%arg14 : memref<!tpu.dma_semaphore, #tpu.memory_space<semaphore_mem>>)
        } else {
        }
        %dma_wait3A_58 = arith.constant 0 : i32
        %dma_wait3A_59 = tpu.memref_slice %arg9[%add3A_40, %dma_wait3A_58] : memref<40x128xi32, #tpu.memory_space<vmem>> -> memref<1x128xi32, #tpu.memory_space<vmem>>
        %dma_wait3A_60 = tpu.memref_squeeze %dma_wait3A_59 : memref<1x128xi32, #tpu.memory_space<vmem>> -> memref<128xi32, #tpu.memory_space<vmem>>
        %dma_wait3A_61 = arith.constant 0 : i32
        %dma_wait3A_62 = arith.constant 0 : i32
        %dma_wait3A_63 = tpu.memref_slice %arg4[%dma_wait3A_61, %dma_wait3A_62] : memref<10000x128xf32, #tpu.memory_space<hbm>> -> memref<10000x128xf32, #tpu.memory_space<hbm>>
        tpu.wait_indirect_dma semaphore(%arg15 : memref<!tpu.dma_semaphore, #tpu.memory_space<semaphore_mem>>) src(%dma_wait3A_63 : memref<10000x128xf32, #tpu.memory_space<hbm>>) dst(%arg12 : memref<128x128xf32, #tpu.memory_space<vmem>>)
        "tpu.region"() ({
          %run_scoped3A = tpu.sem_alloc : memref<!tpu.dma_semaphore, #tpu.memory_space<semaphore_mem>>
          %dma_start3A_64 = arith.constant 0 : i32
          %dma_start3A_65 = tpu.memref_slice %arg10[%add3A_40, %dma_start3A_64] : memref<40x128xi32, #tpu.memory_space<vmem>> -> memref<1x128xi32, #tpu.memory_space<vmem>>
          %dma_start3A_66 = tpu.memref_squeeze %dma_start3A_65 : memref<1x128xi32, #tpu.memory_space<vmem>> -> memref<128xi32, #tpu.memory_space<vmem>>
          %dma_start3A_67 = arith.constant 0 : i32
          %dma_start3A_68 = arith.constant 0 : i32
          %dma_start3A_69 = tpu.memref_slice %arg13[%dma_start3A_67, %dma_start3A_68] : memref<10240x128xf32, #tpu.memory_space<vmem_shared>> -> memref<10240x128xf32, #tpu.memory_space<vmem_shared>>
          tpu.enqueue_indirect_dma source(%arg12 : memref<128x128xf32, #tpu.memory_space<vmem>>) target(%dma_start3A_69 : memref<10240x128xf32, #tpu.memory_space<vmem_shared>>) offsets(%dma_start3A_66 : memref<128xi32, #tpu.memory_space<vmem>>) semaphore(%run_scoped3A : memref<!tpu.dma_semaphore, #tpu.memory_space<semaphore_mem>>) {add = true}
          %dma_wait3A_70 = arith.constant 0 : i32
          %dma_wait3A_71 = tpu.memref_slice %arg10[%add3A_40, %dma_wait3A_70] : memref<40x128xi32, #tpu.memory_space<vmem>> -> memref<1x128xi32, #tpu.memory_space<vmem>>
          %dma_wait3A_72 = tpu.memref_squeeze %dma_wait3A_71 : memref<1x128xi32, #tpu.memory_space<vmem>> -> memref<128xi32, #tpu.memory_space<vmem>>
          %dma_wait3A_73 = arith.constant 0 : i32
          %dma_wait3A_74 = arith.constant 0 : i32
          %dma_wait3A_75 = tpu.memref_slice %arg13[%dma_wait3A_73, %dma_wait3A_74] : memref<10240x128xf32, #tpu.memory_space<vmem_shared>> -> memref<10240x128xf32, #tpu.memory_space<vmem_shared>>
          tpu.wait_indirect_dma semaphore(%run_scoped3A : memref<!tpu.dma_semaphore, #tpu.memory_space<semaphore_mem>>) src(%arg12 : memref<128x128xf32, #tpu.memory_space<vmem>>) dst(%dma_wait3A_75 : memref<10240x128xf32, #tpu.memory_space<vmem_shared>>)
          tpu.yield
        }) : () -> ()
      }
      %scan3A_18 = arith.constant 20 : i32
      "tpu.region"() ({
        %run_scoped3A = tpu.sem_alloc : memref<!tpu.dma_semaphore, #tpu.memory_space<semaphore_mem>>
        %dma_start3A_37 = arith.constant 40 : i32
        %dma_start3A_38 = arith.constant 0 : i32
        %dma_start3A_39 = tpu.memref_slice %arg2[%arg1, %dma_start3A_37, %dma_start3A_38] : memref<16x80x128xi32, #tpu.memory_space<hbm>> -> memref<1x40x128xi32, #tpu.memory_space<hbm>>
        %dma_start3A_40 = tpu.memref_squeeze %dma_start3A_39 : memref<1x40x128xi32, #tpu.memory_space<hbm>> -> memref<40x128xi32, #tpu.memory_space<hbm>>
        %dma_start3A_41 = arith.constant 40 : i32
        %dma_start3A_42 = arith.constant 0 : i32
        %dma_start3A_43 = tpu.memref_slice %arg2[%arg1, %dma_start3A_41, %dma_start3A_42] : memref<16x80x128xi32, #tpu.memory_space<hbm>> -> memref<1x40x128xi32, #tpu.memory_space<hbm>>
        %dma_start3A_44 = tpu.memref_squeeze %dma_start3A_43 : memref<1x40x128xi32, #tpu.memory_space<hbm>> -> memref<40x128xi32, #tpu.memory_space<hbm>>
        tpu.enqueue_dma source(%dma_start3A_44 : memref<40x128xi32, #tpu.memory_space<hbm>>) target(%arg9 : memref<40x128xi32, #tpu.memory_space<vmem>>) target_semaphore(%run_scoped3A : memref<!tpu.dma_semaphore, #tpu.memory_space<semaphore_mem>>)
        %dma_wait3A = arith.constant 40 : i32
        %dma_wait3A_45 = arith.constant 0 : i32
        %dma_wait3A_46 = tpu.memref_slice %arg2[%arg1, %dma_wait3A, %dma_wait3A_45] : memref<16x80x128xi32, #tpu.memory_space<hbm>> -> memref<1x40x128xi32, #tpu.memory_space<hbm>>
        %dma_wait3A_47 = tpu.memref_squeeze %dma_wait3A_46 : memref<1x40x128xi32, #tpu.memory_space<hbm>> -> memref<40x128xi32, #tpu.memory_space<hbm>>
        %dma_wait3A_48 = arith.constant 40 : i32
        %dma_wait3A_49 = arith.constant 0 : i32
        %dma_wait3A_50 = tpu.memref_slice %arg2[%arg1, %dma_wait3A_48, %dma_wait3A_49] : memref<16x80x128xi32, #tpu.memory_space<hbm>> -> memref<1x40x128xi32, #tpu.memory_space<hbm>>
        %dma_wait3A_51 = tpu.memref_squeeze %dma_wait3A_50 : memref<1x40x128xi32, #tpu.memory_space<hbm>> -> memref<40x128xi32, #tpu.memory_space<hbm>>
        tpu.wait_dma2 semaphore(%run_scoped3A : memref<!tpu.dma_semaphore, #tpu.memory_space<semaphore_mem>>) src(%dma_wait3A_51 : memref<40x128xi32, #tpu.memory_space<hbm>>) dst(%arg9 : memref<40x128xi32, #tpu.memory_space<vmem>>)
        tpu.yield
      }) : () -> ()
      "tpu.region"() ({
        %run_scoped3A = tpu.sem_alloc : memref<!tpu.dma_semaphore, #tpu.memory_space<semaphore_mem>>
        %dma_start3A_37 = arith.constant 40 : i32
        %dma_start3A_38 = arith.constant 0 : i32
        %dma_start3A_39 = tpu.memref_slice %arg3[%arg1, %dma_start3A_37, %dma_start3A_38] : memref<16x80x128xi32, #tpu.memory_space<hbm>> -> memref<1x40x128xi32, #tpu.memory_space<hbm>>
        %dma_start3A_40 = tpu.memref_squeeze %dma_start3A_39 : memref<1x40x128xi32, #tpu.memory_space<hbm>> -> memref<40x128xi32, #tpu.memory_space<hbm>>
        %dma_start3A_41 = arith.constant 40 : i32
        %dma_start3A_42 = arith.constant 0 : i32
        %dma_start3A_43 = tpu.memref_slice %arg3[%arg1, %dma_start3A_41, %dma_start3A_42] : memref<16x80x128xi32, #tpu.memory_space<hbm>> -> memref<1x40x128xi32, #tpu.memory_space<hbm>>
        %dma_start3A_44 = tpu.memref_squeeze %dma_start3A_43 : memref<1x40x128xi32, #tpu.memory_space<hbm>> -> memref<40x128xi32, #tpu.memory_space<hbm>>
        tpu.enqueue_dma source(%dma_start3A_44 : memref<40x128xi32, #tpu.memory_space<hbm>>) target(%arg10 : memref<40x128xi32, #tpu.memory_space<vmem>>) target_semaphore(%run_scoped3A : memref<!tpu.dma_semaphore, #tpu.memory_space<semaphore_mem>>)
        %dma_wait3A = arith.constant 40 : i32
        %dma_wait3A_45 = arith.constant 0 : i32
        %dma_wait3A_46 = tpu.memref_slice %arg3[%arg1, %dma_wait3A, %dma_wait3A_45] : memref<16x80x128xi32, #tpu.memory_space<hbm>> -> memref<1x40x128xi32, #tpu.memory_space<hbm>>
        %dma_wait3A_47 = tpu.memref_squeeze %dma_wait3A_46 : memref<1x40x128xi32, #tpu.memory_space<hbm>> -> memref<40x128xi32, #tpu.memory_space<hbm>>
        %dma_wait3A_48 = arith.constant 40 : i32
        %dma_wait3A_49 = arith.constant 0 : i32
        %dma_wait3A_50 = tpu.memref_slice %arg3[%arg1, %dma_wait3A_48, %dma_wait3A_49] : memref<16x80x128xi32, #tpu.memory_space<hbm>> -> memref<1x40x128xi32, #tpu.memory_space<hbm>>
        %dma_wait3A_51 = tpu.memref_squeeze %dma_wait3A_50 : memref<1x40x128xi32, #tpu.memory_space<hbm>> -> memref<40x128xi32, #tpu.memory_space<hbm>>
        tpu.wait_dma2 semaphore(%run_scoped3A : memref<!tpu.dma_semaphore, #tpu.memory_space<semaphore_mem>>) src(%dma_wait3A_51 : memref<40x128xi32, #tpu.memory_space<hbm>>) dst(%arg10 : memref<40x128xi32, #tpu.memory_space<vmem>>)
        tpu.yield
      }) : () -> ()
      %dma_start3A_19 = arith.constant 0 : i32
      %dma_start3A_20 = arith.constant 0 : i32
      %dma_start3A_21 = tpu.memref_slice %arg9[%dma_start3A_19, %dma_start3A_20] : memref<40x128xi32, #tpu.memory_space<vmem>> -> memref<1x128xi32, #tpu.memory_space<vmem>>
      %dma_start3A_22 = tpu.memref_squeeze %dma_start3A_21 : memref<1x128xi32, #tpu.memory_space<vmem>> -> memref<128xi32, #tpu.memory_space<vmem>>
      %dma_start3A_23 = arith.constant 0 : i32
      %dma_start3A_24 = arith.constant 0 : i32
      %dma_start3A_25 = tpu.memref_slice %arg4[%dma_start3A_23, %dma_start3A_24] : memref<10000x128xf32, #tpu.memory_space<hbm>> -> memref<10000x128xf32, #tpu.memory_space<hbm>>
      tpu.enqueue_indirect_dma source(%dma_start3A_25 : memref<10000x128xf32, #tpu.memory_space<hbm>>) target(%arg11 : memref<128x128xf32, #tpu.memory_space<vmem>>) offsets(%dma_start3A_22 : memref<128xi32, #tpu.memory_space<vmem>>) semaphore(%arg14 : memref<!tpu.dma_semaphore, #tpu.memory_space<semaphore_mem>>)
      %scan3A_26 = arith.constant 0 : i32
      %scan3A_27 = arith.constant 0 : i32
      %scan3A_28 = arith.constant 20 : i32
      %scan3A_29 = arith.addi %scan3A_27, %scan3A_28 : i32
      %scan3A_30 = arith.constant 1 : i32
      scf.for %scan3A_37 = %scan3A_27 to %scan3A_29 step %scan3A_30  : i32 {
        %mul3A_38 = arith.constant 2 : i32
        %mul3A_39 = arith.muli %scan3A_37, %mul3A_38 : i32
        %add3A = arith.constant 1 : i32
        %add3A_40 = arith.addi %mul3A_39, %add3A : i32
        %dma_start3A_41 = arith.constant 0 : i32
        %dma_start3A_42 = tpu.memref_slice %arg9[%add3A_40, %dma_start3A_41] : memref<40x128xi32, #tpu.memory_space<vmem>> -> memref<1x128xi32, #tpu.memory_space<vmem>>
        %dma_start3A_43 = tpu.memref_squeeze %dma_start3A_42 : memref<1x128xi32, #tpu.memory_space<vmem>> -> memref<128xi32, #tpu.memory_space<vmem>>
        %dma_start3A_44 = arith.constant 0 : i32
        %dma_start3A_45 = arith.constant 0 : i32
        %dma_start3A_46 = tpu.memref_slice %arg4[%dma_start3A_44, %dma_start3A_45] : memref<10000x128xf32, #tpu.memory_space<hbm>> -> memref<10000x128xf32, #tpu.memory_space<hbm>>
        tpu.enqueue_indirect_dma source(%dma_start3A_46 : memref<10000x128xf32, #tpu.memory_space<hbm>>) target(%arg12 : memref<128x128xf32, #tpu.memory_space<vmem>>) offsets(%dma_start3A_43 : memref<128xi32, #tpu.memory_space<vmem>>) semaphore(%arg15 : memref<!tpu.dma_semaphore, #tpu.memory_space<semaphore_mem>>)
        %dma_wait3A = arith.constant 0 : i32
        %dma_wait3A_47 = tpu.memref_slice %arg9[%mul3A_39, %dma_wait3A] : memref<40x128xi32, #tpu.memory_space<vmem>> -> memref<1x128xi32, #tpu.memory_space<vmem>>
        %dma_wait3A_48 = tpu.memref_squeeze %dma_wait3A_47 : memref<1x128xi32, #tpu.memory_space<vmem>> -> memref<128xi32, #tpu.memory_space<vmem>>
        %dma_wait3A_49 = arith.constant 0 : i32
        %dma_wait3A_50 = arith.constant 0 : i32
        %dma_wait3A_51 = tpu.memref_slice %arg4[%dma_wait3A_49, %dma_wait3A_50] : memref<10000x128xf32, #tpu.memory_space<hbm>> -> memref<10000x128xf32, #tpu.memory_space<hbm>>
        tpu.wait_indirect_dma semaphore(%arg14 : memref<!tpu.dma_semaphore, #tpu.memory_space<semaphore_mem>>) src(%dma_wait3A_51 : memref<10000x128xf32, #tpu.memory_space<hbm>>) dst(%arg11 : memref<128x128xf32, #tpu.memory_space<vmem>>)
        "tpu.region"() ({
          %run_scoped3A = tpu.sem_alloc : memref<!tpu.dma_semaphore, #tpu.memory_space<semaphore_mem>>
          %dma_start3A_64 = arith.constant 0 : i32
          %dma_start3A_65 = tpu.memref_slice %arg10[%mul3A_39, %dma_start3A_64] : memref<40x128xi32, #tpu.memory_space<vmem>> -> memref<1x128xi32, #tpu.memory_space<vmem>>
          %dma_start3A_66 = tpu.memref_squeeze %dma_start3A_65 : memref<1x128xi32, #tpu.memory_space<vmem>> -> memref<128xi32, #tpu.memory_space<vmem>>
          %dma_start3A_67 = arith.constant 0 : i32
          %dma_start3A_68 = arith.constant 0 : i32
          %dma_start3A_69 = tpu.memref_slice %arg13[%dma_start3A_67, %dma_start3A_68] : memref<10240x128xf32, #tpu.memory_space<vmem_shared>> -> memref<10240x128xf32, #tpu.memory_space<vmem_shared>>
          tpu.enqueue_indirect_dma source(%arg11 : memref<128x128xf32, #tpu.memory_space<vmem>>) target(%dma_start3A_69 : memref<10240x128xf32, #tpu.memory_space<vmem_shared>>) offsets(%dma_start3A_66 : memref<128xi32, #tpu.memory_space<vmem>>) semaphore(%run_scoped3A : memref<!tpu.dma_semaphore, #tpu.memory_space<semaphore_mem>>) {add = true}
          %dma_wait3A_70 = arith.constant 0 : i32
          %dma_wait3A_71 = tpu.memref_slice %arg10[%mul3A_39, %dma_wait3A_70] : memref<40x128xi32, #tpu.memory_space<vmem>> -> memref<1x128xi32, #tpu.memory_space<vmem>>
          %dma_wait3A_72 = tpu.memref_squeeze %dma_wait3A_71 : memref<1x128xi32, #tpu.memory_space<vmem>> -> memref<128xi32, #tpu.memory_space<vmem>>
          %dma_wait3A_73 = arith.constant 0 : i32
          %dma_wait3A_74 = arith.constant 0 : i32
          %dma_wait3A_75 = tpu.memref_slice %arg13[%dma_wait3A_73, %dma_wait3A_74] : memref<10240x128xf32, #tpu.memory_space<vmem_shared>> -> memref<10240x128xf32, #tpu.memory_space<vmem_shared>>
          tpu.wait_indirect_dma semaphore(%run_scoped3A : memref<!tpu.dma_semaphore, #tpu.memory_space<semaphore_mem>>) src(%arg11 : memref<128x128xf32, #tpu.memory_space<vmem>>) dst(%dma_wait3A_75 : memref<10240x128xf32, #tpu.memory_space<vmem_shared>>)
          tpu.yield
        }) : () -> ()
        %add3A_52 = arith.constant 2 : i32
        %add3A_53 = arith.addi %mul3A_39, %add3A_52 : i32
        %lt3A = arith.constant 40 : i32
        %lt3A_54 = arith.cmpi slt, %add3A_53, %lt3A : i32
        %convert_element_type3A_55 = arith.extui %lt3A_54 : i1 to i32
        %cond3A_56 = arith.constant 0 : i32
        %cond3A_57 = arith.cmpi ne, %convert_element_type3A_55, %cond3A_56 : i32
        scf.if %cond3A_57 {
          %add3A_64 = arith.constant 2 : i32
          %add3A_65 = arith.addi %mul3A_39, %add3A_64 : i32
          %dma_start3A_66 = arith.constant 0 : i32
          %dma_start3A_67 = tpu.memref_slice %arg9[%add3A_65, %dma_start3A_66] : memref<40x128xi32, #tpu.memory_space<vmem>> -> memref<1x128xi32, #tpu.memory_space<vmem>>
          %dma_start3A_68 = tpu.memref_squeeze %dma_start3A_67 : memref<1x128xi32, #tpu.memory_space<vmem>> -> memref<128xi32, #tpu.memory_space<vmem>>
          %dma_start3A_69 = arith.constant 0 : i32
          %dma_start3A_70 = arith.constant 0 : i32
          %dma_start3A_71 = tpu.memref_slice %arg4[%dma_start3A_69, %dma_start3A_70] : memref<10000x128xf32, #tpu.memory_space<hbm>> -> memref<10000x128xf32, #tpu.memory_space<hbm>>
          tpu.enqueue_indirect_dma source(%dma_start3A_71 : memref<10000x128xf32, #tpu.memory_space<hbm>>) target(%arg11 : memref<128x128xf32, #tpu.memory_space<vmem>>) offsets(%dma_start3A_68 : memref<128xi32, #tpu.memory_space<vmem>>) semaphore(%arg14 : memref<!tpu.dma_semaphore, #tpu.memory_space<semaphore_mem>>)
        } else {
        }
        %dma_wait3A_58 = arith.constant 0 : i32
        %dma_wait3A_59 = tpu.memref_slice %arg9[%add3A_40, %dma_wait3A_58] : memref<40x128xi32, #tpu.memory_space<vmem>> -> memref<1x128xi32, #tpu.memory_space<vmem>>
        %dma_wait3A_60 = tpu.memref_squeeze %dma_wait3A_59 : memref<1x128xi32, #tpu.memory_space<vmem>> -> memref<128xi32, #tpu.memory_space<vmem>>
        %dma_wait3A_61 = arith.constant 0 : i32
        %dma_wait3A_62 = arith.constant 0 : i32
        %dma_wait3A_63 = tpu.memref_slice %arg4[%dma_wait3A_61, %dma_wait3A_62] : memref<10000x128xf32, #tpu.memory_space<hbm>> -> memref<10000x128xf32, #tpu.memory_space<hbm>>
        tpu.wait_indirect_dma semaphore(%arg15 : memref<!tpu.dma_semaphore, #tpu.memory_space<semaphore_mem>>) src(%dma_wait3A_63 : memref<10000x128xf32, #tpu.memory_space<hbm>>) dst(%arg12 : memref<128x128xf32, #tpu.memory_space<vmem>>)
        "tpu.region"() ({
          %run_scoped3A = tpu.sem_alloc : memref<!tpu.dma_semaphore, #tpu.memory_space<semaphore_mem>>
          %dma_start3A_64 = arith.constant 0 : i32
          %dma_start3A_65 = tpu.memref_slice %arg10[%add3A_40, %dma_start3A_64] : memref<40x128xi32, #tpu.memory_space<vmem>> -> memref<1x128xi32, #tpu.memory_space<vmem>>
          %dma_start3A_66 = tpu.memref_squeeze %dma_start3A_65 : memref<1x128xi32, #tpu.memory_space<vmem>> -> memref<128xi32, #tpu.memory_space<vmem>>
          %dma_start3A_67 = arith.constant 0 : i32
          %dma_start3A_68 = arith.constant 0 : i32
          %dma_start3A_69 = tpu.memref_slice %arg13[%dma_start3A_67, %dma_start3A_68] : memref<10240x128xf32, #tpu.memory_space<vmem_shared>> -> memref<10240x128xf32, #tpu.memory_space<vmem_shared>>
          tpu.enqueue_indirect_dma source(%arg12 : memref<128x128xf32, #tpu.memory_space<vmem>>) target(%dma_start3A_69 : memref<10240x128xf32, #tpu.memory_space<vmem_shared>>) offsets(%dma_start3A_66 : memref<128xi32, #tpu.memory_space<vmem>>) semaphore(%run_scoped3A : memref<!tpu.dma_semaphore, #tpu.memory_space<semaphore_mem>>) {add = true}
          %dma_wait3A_70 = arith.constant 0 : i32
          %dma_wait3A_71 = tpu.memref_slice %arg10[%add3A_40, %dma_wait3A_70] : memref<40x128xi32, #tpu.memory_space<vmem>> -> memref<1x128xi32, #tpu.memory_space<vmem>>
          %dma_wait3A_72 = tpu.memref_squeeze %dma_wait3A_71 : memref<1x128xi32, #tpu.memory_space<vmem>> -> memref<128xi32, #tpu.memory_space<vmem>>
          %dma_wait3A_73 = arith.constant 0 : i32
          %dma_wait3A_74 = arith.constant 0 : i32
          %dma_wait3A_75 = tpu.memref_slice %arg13[%dma_wait3A_73, %dma_wait3A_74] : memref<10240x128xf32, #tpu.memory_space<vmem_shared>> -> memref<10240x128xf32, #tpu.memory_space<vmem_shared>>
          tpu.wait_indirect_dma semaphore(%run_scoped3A : memref<!tpu.dma_semaphore, #tpu.memory_space<semaphore_mem>>) src(%arg12 : memref<128x128xf32, #tpu.memory_space<vmem>>) dst(%dma_wait3A_75 : memref<10240x128xf32, #tpu.memory_space<vmem_shared>>)
          tpu.yield
        }) : () -> ()
      }
      %scan3A_31 = arith.constant 20 : i32
      %barrier3A_32 = arith.constant 0 : index
      tpu.barrier barrier_id(%barrier3A_32)
      %mul3A_33 = arith.constant 640 : i32
      %mul3A_34 = arith.muli %arg1, %mul3A_33 : i32
      %mul3A_35 = arith.constant 640 : i32
      %mul3A_36 = arith.muli %arg1, %mul3A_35 : i32
      "tpu.region"() ({
        %run_scoped3A = tpu.sem_alloc : memref<!tpu.dma_semaphore, #tpu.memory_space<semaphore_mem>>
        %dma_start3A_37 = arith.constant 0 : i32
        %dma_start3A_38 = tpu.memref_slice %arg7[%mul3A_36, %dma_start3A_37] : memref<10240x128xf32, #tpu.memory_space<hbm>> -> memref<640x128xf32, #tpu.memory_space<hbm>>
        %dma_start3A_39 = arith.constant 0 : i32
        %dma_start3A_40 = tpu.memref_slice %arg13[%mul3A_34, %dma_start3A_39] : memref<10240x128xf32, #tpu.memory_space<vmem_shared>> -> memref<640x128xf32, #tpu.memory_space<vmem_shared>>
        tpu.enqueue_dma source(%dma_start3A_40 : memref<640x128xf32, #tpu.memory_space<vmem_shared>>) target(%dma_start3A_38 : memref<640x128xf32, #tpu.memory_space<hbm>>) target_semaphore(%run_scoped3A : memref<!tpu.dma_semaphore, #tpu.memory_space<semaphore_mem>>)
        %dma_wait3A = arith.constant 0 : i32
        %dma_wait3A_41 = tpu.memref_slice %arg7[%mul3A_36, %dma_wait3A] : memref<10240x128xf32, #tpu.memory_space<hbm>> -> memref<640x128xf32, #tpu.memory_space<hbm>>
        %dma_wait3A_42 = arith.constant 0 : i32
        %dma_wait3A_43 = tpu.memref_slice %arg13[%mul3A_34, %dma_wait3A_42] : memref<10240x128xf32, #tpu.memory_space<vmem_shared>> -> memref<640x128xf32, #tpu.memory_space<vmem_shared>>
        tpu.wait_dma2 semaphore(%run_scoped3A : memref<!tpu.dma_semaphore, #tpu.memory_space<semaphore_mem>>) src(%dma_wait3A_43 : memref<640x128xf32, #tpu.memory_space<vmem_shared>>) dst(%dma_wait3A_41 : memref<640x128xf32, #tpu.memory_space<hbm>>)
        tpu.yield
      }) : () -> ()
    } else {
    }
    %eq3A_3 = arith.constant 1 : i32
    %eq3A_4 = arith.cmpi eq, %arg0, %eq3A_3 : i32
    %convert_element_type3A_5 = arith.extui %eq3A_4 : i1 to i32
    %cond3A_6 = arith.constant 0 : i32
    %cond3A_7 = arith.cmpi ne, %convert_element_type3A_5, %cond3A_6 : i32
    scf.if %cond3A_7 {
      "tpu.region"() ({
        %run_scoped3A = tpu.sem_alloc : memref<!tpu.dma_semaphore, #tpu.memory_space<semaphore_mem>>
        %dma_start3A_37 = arith.constant 0 : i32
        %dma_start3A_38 = arith.constant 0 : i32
        %dma_start3A_39 = tpu.memref_slice %arg2[%arg1, %dma_start3A_37, %dma_start3A_38] : memref<16x80x128xi32, #tpu.memory_space<hbm>> -> memref<1x40x128xi32, #tpu.memory_space<hbm>>
        %dma_start3A_40 = tpu.memref_squeeze %dma_start3A_39 : memref<1x40x128xi32, #tpu.memory_space<hbm>> -> memref<40x128xi32, #tpu.memory_space<hbm>>
        %dma_start3A_41 = arith.constant 0 : i32
        %dma_start3A_42 = arith.constant 0 : i32
        %dma_start3A_43 = tpu.memref_slice %arg2[%arg1, %dma_start3A_41, %dma_start3A_42] : memref<16x80x128xi32, #tpu.memory_space<hbm>> -> memref<1x40x128xi32, #tpu.memory_space<hbm>>
        %dma_start3A_44 = tpu.memref_squeeze %dma_start3A_43 : memref<1x40x128xi32, #tpu.memory_space<hbm>> -> memref<40x128xi32, #tpu.memory_space<hbm>>
        tpu.enqueue_dma source(%dma_start3A_44 : memref<40x128xi32, #tpu.memory_space<hbm>>) target(%arg9 : memref<40x128xi32, #tpu.memory_space<vmem>>) target_semaphore(%run_scoped3A : memref<!tpu.dma_semaphore, #tpu.memory_space<semaphore_mem>>)
        %dma_wait3A = arith.constant 0 : i32
        %dma_wait3A_45 = arith.constant 0 : i32
        %dma_wait3A_46 = tpu.memref_slice %arg2[%arg1, %dma_wait3A, %dma_wait3A_45] : memref<16x80x128xi32, #tpu.memory_space<hbm>> -> memref<1x40x128xi32, #tpu.memory_space<hbm>>
        %dma_wait3A_47 = tpu.memref_squeeze %dma_wait3A_46 : memref<1x40x128xi32, #tpu.memory_space<hbm>> -> memref<40x128xi32, #tpu.memory_space<hbm>>
        %dma_wait3A_48 = arith.constant 0 : i32
        %dma_wait3A_49 = arith.constant 0 : i32
        %dma_wait3A_50 = tpu.memref_slice %arg2[%arg1, %dma_wait3A_48, %dma_wait3A_49] : memref<16x80x128xi32, #tpu.memory_space<hbm>> -> memref<1x40x128xi32, #tpu.memory_space<hbm>>
        %dma_wait3A_51 = tpu.memref_squeeze %dma_wait3A_50 : memref<1x40x128xi32, #tpu.memory_space<hbm>> -> memref<40x128xi32, #tpu.memory_space<hbm>>
        tpu.wait_dma2 semaphore(%run_scoped3A : memref<!tpu.dma_semaphore, #tpu.memory_space<semaphore_mem>>) src(%dma_wait3A_51 : memref<40x128xi32, #tpu.memory_space<hbm>>) dst(%arg9 : memref<40x128xi32, #tpu.memory_space<vmem>>)
        tpu.yield
      }) : () -> ()
      "tpu.region"() ({
        %run_scoped3A = tpu.sem_alloc : memref<!tpu.dma_semaphore, #tpu.memory_space<semaphore_mem>>
        %dma_start3A_37 = arith.constant 0 : i32
        %dma_start3A_38 = arith.constant 0 : i32
        %dma_start3A_39 = tpu.memref_slice %arg3[%arg1, %dma_start3A_37, %dma_start3A_38] : memref<16x80x128xi32, #tpu.memory_space<hbm>> -> memref<1x40x128xi32, #tpu.memory_space<hbm>>
        %dma_start3A_40 = tpu.memref_squeeze %dma_start3A_39 : memref<1x40x128xi32, #tpu.memory_space<hbm>> -> memref<40x128xi32, #tpu.memory_space<hbm>>
        %dma_start3A_41 = arith.constant 0 : i32
        %dma_start3A_42 = arith.constant 0 : i32
        %dma_start3A_43 = tpu.memref_slice %arg3[%arg1, %dma_start3A_41, %dma_start3A_42] : memref<16x80x128xi32, #tpu.memory_space<hbm>> -> memref<1x40x128xi32, #tpu.memory_space<hbm>>
        %dma_start3A_44 = tpu.memref_squeeze %dma_start3A_43 : memref<1x40x128xi32, #tpu.memory_space<hbm>> -> memref<40x128xi32, #tpu.memory_space<hbm>>
        tpu.enqueue_dma source(%dma_start3A_44 : memref<40x128xi32, #tpu.memory_space<hbm>>) target(%arg10 : memref<40x128xi32, #tpu.memory_space<vmem>>) target_semaphore(%run_scoped3A : memref<!tpu.dma_semaphore, #tpu.memory_space<semaphore_mem>>)
        %dma_wait3A = arith.constant 0 : i32
        %dma_wait3A_45 = arith.constant 0 : i32
        %dma_wait3A_46 = tpu.memref_slice %arg3[%arg1, %dma_wait3A, %dma_wait3A_45] : memref<16x80x128xi32, #tpu.memory_space<hbm>> -> memref<1x40x128xi32, #tpu.memory_space<hbm>>
        %dma_wait3A_47 = tpu.memref_squeeze %dma_wait3A_46 : memref<1x40x128xi32, #tpu.memory_space<hbm>> -> memref<40x128xi32, #tpu.memory_space<hbm>>
        %dma_wait3A_48 = arith.constant 0 : i32
        %dma_wait3A_49 = arith.constant 0 : i32
        %dma_wait3A_50 = tpu.memref_slice %arg3[%arg1, %dma_wait3A_48, %dma_wait3A_49] : memref<16x80x128xi32, #tpu.memory_space<hbm>> -> memref<1x40x128xi32, #tpu.memory_space<hbm>>
        %dma_wait3A_51 = tpu.memref_squeeze %dma_wait3A_50 : memref<1x40x128xi32, #tpu.memory_space<hbm>> -> memref<40x128xi32, #tpu.memory_space<hbm>>
        tpu.wait_dma2 semaphore(%run_scoped3A : memref<!tpu.dma_semaphore, #tpu.memory_space<semaphore_mem>>) src(%dma_wait3A_51 : memref<40x128xi32, #tpu.memory_space<hbm>>) dst(%arg10 : memref<40x128xi32, #tpu.memory_space<vmem>>)
        tpu.yield
      }) : () -> ()
      %dma_start3A = arith.constant 0 : i32
      %dma_start3A_8 = arith.constant 0 : i32
      %dma_start3A_9 = tpu.memref_slice %arg9[%dma_start3A, %dma_start3A_8] : memref<40x128xi32, #tpu.memory_space<vmem>> -> memref<1x128xi32, #tpu.memory_space<vmem>>
      %dma_start3A_10 = tpu.memref_squeeze %dma_start3A_9 : memref<1x128xi32, #tpu.memory_space<vmem>> -> memref<128xi32, #tpu.memory_space<vmem>>
      %dma_start3A_11 = arith.constant 0 : i32
      %dma_start3A_12 = arith.constant 0 : i32
      %dma_start3A_13 = tpu.memref_slice %arg5[%dma_start3A_11, %dma_start3A_12] : memref<10000x128xf32, #tpu.memory_space<hbm>> -> memref<10000x128xf32, #tpu.memory_space<hbm>>
      tpu.enqueue_indirect_dma source(%dma_start3A_13 : memref<10000x128xf32, #tpu.memory_space<hbm>>) target(%arg11 : memref<128x128xf32, #tpu.memory_space<vmem>>) offsets(%dma_start3A_10 : memref<128xi32, #tpu.memory_space<vmem>>) semaphore(%arg14 : memref<!tpu.dma_semaphore, #tpu.memory_space<semaphore_mem>>)
      %scan3A = arith.constant 0 : i32
      %scan3A_14 = arith.constant 0 : i32
      %scan3A_15 = arith.constant 20 : i32
      %scan3A_16 = arith.addi %scan3A_14, %scan3A_15 : i32
      %scan3A_17 = arith.constant 1 : i32
      scf.for %scan3A_37 = %scan3A_14 to %scan3A_16 step %scan3A_17  : i32 {
        %mul3A_38 = arith.constant 2 : i32
        %mul3A_39 = arith.muli %scan3A_37, %mul3A_38 : i32
        %add3A = arith.constant 1 : i32
        %add3A_40 = arith.addi %mul3A_39, %add3A : i32
        %dma_start3A_41 = arith.constant 0 : i32
        %dma_start3A_42 = tpu.memref_slice %arg9[%add3A_40, %dma_start3A_41] : memref<40x128xi32, #tpu.memory_space<vmem>> -> memref<1x128xi32, #tpu.memory_space<vmem>>
        %dma_start3A_43 = tpu.memref_squeeze %dma_start3A_42 : memref<1x128xi32, #tpu.memory_space<vmem>> -> memref<128xi32, #tpu.memory_space<vmem>>
        %dma_start3A_44 = arith.constant 0 : i32
        %dma_start3A_45 = arith.constant 0 : i32
        %dma_start3A_46 = tpu.memref_slice %arg5[%dma_start3A_44, %dma_start3A_45] : memref<10000x128xf32, #tpu.memory_space<hbm>> -> memref<10000x128xf32, #tpu.memory_space<hbm>>
        tpu.enqueue_indirect_dma source(%dma_start3A_46 : memref<10000x128xf32, #tpu.memory_space<hbm>>) target(%arg12 : memref<128x128xf32, #tpu.memory_space<vmem>>) offsets(%dma_start3A_43 : memref<128xi32, #tpu.memory_space<vmem>>) semaphore(%arg15 : memref<!tpu.dma_semaphore, #tpu.memory_space<semaphore_mem>>)
        %dma_wait3A = arith.constant 0 : i32
        %dma_wait3A_47 = tpu.memref_slice %arg9[%mul3A_39, %dma_wait3A] : memref<40x128xi32, #tpu.memory_space<vmem>> -> memref<1x128xi32, #tpu.memory_space<vmem>>
        %dma_wait3A_48 = tpu.memref_squeeze %dma_wait3A_47 : memref<1x128xi32, #tpu.memory_space<vmem>> -> memref<128xi32, #tpu.memory_space<vmem>>
        %dma_wait3A_49 = arith.constant 0 : i32
        %dma_wait3A_50 = arith.constant 0 : i32
        %dma_wait3A_51 = tpu.memref_slice %arg5[%dma_wait3A_49, %dma_wait3A_50] : memref<10000x128xf32, #tpu.memory_space<hbm>> -> memref<10000x128xf32, #tpu.memory_space<hbm>>
        tpu.wait_indirect_dma semaphore(%arg14 : memref<!tpu.dma_semaphore, #tpu.memory_space<semaphore_mem>>) src(%dma_wait3A_51 : memref<10000x128xf32, #tpu.memory_space<hbm>>) dst(%arg11 : memref<128x128xf32, #tpu.memory_space<vmem>>)
        "tpu.region"() ({
          %run_scoped3A = tpu.sem_alloc : memref<!tpu.dma_semaphore, #tpu.memory_space<semaphore_mem>>
          %dma_start3A_64 = arith.constant 0 : i32
          %dma_start3A_65 = tpu.memref_slice %arg10[%mul3A_39, %dma_start3A_64] : memref<40x128xi32, #tpu.memory_space<vmem>> -> memref<1x128xi32, #tpu.memory_space<vmem>>
          %dma_start3A_66 = tpu.memref_squeeze %dma_start3A_65 : memref<1x128xi32, #tpu.memory_space<vmem>> -> memref<128xi32, #tpu.memory_space<vmem>>
          %dma_start3A_67 = arith.constant 0 : i32
          %dma_start3A_68 = arith.constant 0 : i32
          %dma_start3A_69 = tpu.memref_slice %arg13[%dma_start3A_67, %dma_start3A_68] : memref<10240x128xf32, #tpu.memory_space<vmem_shared>> -> memref<10240x128xf32, #tpu.memory_space<vmem_shared>>
          tpu.enqueue_indirect_dma source(%arg11 : memref<128x128xf32, #tpu.memory_space<vmem>>) target(%dma_start3A_69 : memref<10240x128xf32, #tpu.memory_space<vmem_shared>>) offsets(%dma_start3A_66 : memref<128xi32, #tpu.memory_space<vmem>>) semaphore(%run_scoped3A : memref<!tpu.dma_semaphore, #tpu.memory_space<semaphore_mem>>) {add = true}
          %dma_wait3A_70 = arith.constant 0 : i32
          %dma_wait3A_71 = tpu.memref_slice %arg10[%mul3A_39, %dma_wait3A_70] : memref<40x128xi32, #tpu.memory_space<vmem>> -> memref<1x128xi32, #tpu.memory_space<vmem>>
          %dma_wait3A_72 = tpu.memref_squeeze %dma_wait3A_71 : memref<1x128xi32, #tpu.memory_space<vmem>> -> memref<128xi32, #tpu.memory_space<vmem>>
          %dma_wait3A_73 = arith.constant 0 : i32
          %dma_wait3A_74 = arith.constant 0 : i32
          %dma_wait3A_75 = tpu.memref_slice %arg13[%dma_wait3A_73, %dma_wait3A_74] : memref<10240x128xf32, #tpu.memory_space<vmem_shared>> -> memref<10240x128xf32, #tpu.memory_space<vmem_shared>>
          tpu.wait_indirect_dma semaphore(%run_scoped3A : memref<!tpu.dma_semaphore, #tpu.memory_space<semaphore_mem>>) src(%arg11 : memref<128x128xf32, #tpu.memory_space<vmem>>) dst(%dma_wait3A_75 : memref<10240x128xf32, #tpu.memory_space<vmem_shared>>)
          tpu.yield
        }) : () -> ()
        %add3A_52 = arith.constant 2 : i32
        %add3A_53 = arith.addi %mul3A_39, %add3A_52 : i32
        %lt3A = arith.constant 40 : i32
        %lt3A_54 = arith.cmpi slt, %add3A_53, %lt3A : i32
        %convert_element_type3A_55 = arith.extui %lt3A_54 : i1 to i32
        %cond3A_56 = arith.constant 0 : i32
        %cond3A_57 = arith.cmpi ne, %convert_element_type3A_55, %cond3A_56 : i32
        scf.if %cond3A_57 {
          %add3A_64 = arith.constant 2 : i32
          %add3A_65 = arith.addi %mul3A_39, %add3A_64 : i32
          %dma_start3A_66 = arith.constant 0 : i32
          %dma_start3A_67 = tpu.memref_slice %arg9[%add3A_65, %dma_start3A_66] : memref<40x128xi32, #tpu.memory_space<vmem>> -> memref<1x128xi32, #tpu.memory_space<vmem>>
          %dma_start3A_68 = tpu.memref_squeeze %dma_start3A_67 : memref<1x128xi32, #tpu.memory_space<vmem>> -> memref<128xi32, #tpu.memory_space<vmem>>
          %dma_start3A_69 = arith.constant 0 : i32
          %dma_start3A_70 = arith.constant 0 : i32
          %dma_start3A_71 = tpu.memref_slice %arg5[%dma_start3A_69, %dma_start3A_70] : memref<10000x128xf32, #tpu.memory_space<hbm>> -> memref<10000x128xf32, #tpu.memory_space<hbm>>
          tpu.enqueue_indirect_dma source(%dma_start3A_71 : memref<10000x128xf32, #tpu.memory_space<hbm>>) target(%arg11 : memref<128x128xf32, #tpu.memory_space<vmem>>) offsets(%dma_start3A_68 : memref<128xi32, #tpu.memory_space<vmem>>) semaphore(%arg14 : memref<!tpu.dma_semaphore, #tpu.memory_space<semaphore_mem>>)
        } else {
        }
        %dma_wait3A_58 = arith.constant 0 : i32
        %dma_wait3A_59 = tpu.memref_slice %arg9[%add3A_40, %dma_wait3A_58] : memref<40x128xi32, #tpu.memory_space<vmem>> -> memref<1x128xi32, #tpu.memory_space<vmem>>
        %dma_wait3A_60 = tpu.memref_squeeze %dma_wait3A_59 : memref<1x128xi32, #tpu.memory_space<vmem>> -> memref<128xi32, #tpu.memory_space<vmem>>
        %dma_wait3A_61 = arith.constant 0 : i32
        %dma_wait3A_62 = arith.constant 0 : i32
        %dma_wait3A_63 = tpu.memref_slice %arg5[%dma_wait3A_61, %dma_wait3A_62] : memref<10000x128xf32, #tpu.memory_space<hbm>> -> memref<10000x128xf32, #tpu.memory_space<hbm>>
        tpu.wait_indirect_dma semaphore(%arg15 : memref<!tpu.dma_semaphore, #tpu.memory_space<semaphore_mem>>) src(%dma_wait3A_63 : memref<10000x128xf32, #tpu.memory_space<hbm>>) dst(%arg12 : memref<128x128xf32, #tpu.memory_space<vmem>>)
        "tpu.region"() ({
          %run_scoped3A = tpu.sem_alloc : memref<!tpu.dma_semaphore, #tpu.memory_space<semaphore_mem>>
          %dma_start3A_64 = arith.constant 0 : i32
          %dma_start3A_65 = tpu.memref_slice %arg10[%add3A_40, %dma_start3A_64] : memref<40x128xi32, #tpu.memory_space<vmem>> -> memref<1x128xi32, #tpu.memory_space<vmem>>
          %dma_start3A_66 = tpu.memref_squeeze %dma_start3A_65 : memref<1x128xi32, #tpu.memory_space<vmem>> -> memref<128xi32, #tpu.memory_space<vmem>>
          %dma_start3A_67 = arith.constant 0 : i32
          %dma_start3A_68 = arith.constant 0 : i32
          %dma_start3A_69 = tpu.memref_slice %arg13[%dma_start3A_67, %dma_start3A_68] : memref<10240x128xf32, #tpu.memory_space<vmem_shared>> -> memref<10240x128xf32, #tpu.memory_space<vmem_shared>>
          tpu.enqueue_indirect_dma source(%arg12 : memref<128x128xf32, #tpu.memory_space<vmem>>) target(%dma_start3A_69 : memref<10240x128xf32, #tpu.memory_space<vmem_shared>>) offsets(%dma_start3A_66 : memref<128xi32, #tpu.memory_space<vmem>>) semaphore(%run_scoped3A : memref<!tpu.dma_semaphore, #tpu.memory_space<semaphore_mem>>) {add = true}
          %dma_wait3A_70 = arith.constant 0 : i32
          %dma_wait3A_71 = tpu.memref_slice %arg10[%add3A_40, %dma_wait3A_70] : memref<40x128xi32, #tpu.memory_space<vmem>> -> memref<1x128xi32, #tpu.memory_space<vmem>>
          %dma_wait3A_72 = tpu.memref_squeeze %dma_wait3A_71 : memref<1x128xi32, #tpu.memory_space<vmem>> -> memref<128xi32, #tpu.memory_space<vmem>>
          %dma_wait3A_73 = arith.constant 0 : i32
          %dma_wait3A_74 = arith.constant 0 : i32
          %dma_wait3A_75 = tpu.memref_slice %arg13[%dma_wait3A_73, %dma_wait3A_74] : memref<10240x128xf32, #tpu.memory_space<vmem_shared>> -> memref<10240x128xf32, #tpu.memory_space<vmem_shared>>
          tpu.wait_indirect_dma semaphore(%run_scoped3A : memref<!tpu.dma_semaphore, #tpu.memory_space<semaphore_mem>>) src(%arg12 : memref<128x128xf32, #tpu.memory_space<vmem>>) dst(%dma_wait3A_75 : memref<10240x128xf32, #tpu.memory_space<vmem_shared>>)
          tpu.yield
        }) : () -> ()
      }
      %scan3A_18 = arith.constant 20 : i32
      "tpu.region"() ({
        %run_scoped3A = tpu.sem_alloc : memref<!tpu.dma_semaphore, #tpu.memory_space<semaphore_mem>>
        %dma_start3A_37 = arith.constant 40 : i32
        %dma_start3A_38 = arith.constant 0 : i32
        %dma_start3A_39 = tpu.memref_slice %arg2[%arg1, %dma_start3A_37, %dma_start3A_38] : memref<16x80x128xi32, #tpu.memory_space<hbm>> -> memref<1x40x128xi32, #tpu.memory_space<hbm>>
        %dma_start3A_40 = tpu.memref_squeeze %dma_start3A_39 : memref<1x40x128xi32, #tpu.memory_space<hbm>> -> memref<40x128xi32, #tpu.memory_space<hbm>>
        %dma_start3A_41 = arith.constant 40 : i32
        %dma_start3A_42 = arith.constant 0 : i32
        %dma_start3A_43 = tpu.memref_slice %arg2[%arg1, %dma_start3A_41, %dma_start3A_42] : memref<16x80x128xi32, #tpu.memory_space<hbm>> -> memref<1x40x128xi32, #tpu.memory_space<hbm>>
        %dma_start3A_44 = tpu.memref_squeeze %dma_start3A_43 : memref<1x40x128xi32, #tpu.memory_space<hbm>> -> memref<40x128xi32, #tpu.memory_space<hbm>>
        tpu.enqueue_dma source(%dma_start3A_44 : memref<40x128xi32, #tpu.memory_space<hbm>>) target(%arg9 : memref<40x128xi32, #tpu.memory_space<vmem>>) target_semaphore(%run_scoped3A : memref<!tpu.dma_semaphore, #tpu.memory_space<semaphore_mem>>)
        %dma_wait3A = arith.constant 40 : i32
        %dma_wait3A_45 = arith.constant 0 : i32
        %dma_wait3A_46 = tpu.memref_slice %arg2[%arg1, %dma_wait3A, %dma_wait3A_45] : memref<16x80x128xi32, #tpu.memory_space<hbm>> -> memref<1x40x128xi32, #tpu.memory_space<hbm>>
        %dma_wait3A_47 = tpu.memref_squeeze %dma_wait3A_46 : memref<1x40x128xi32, #tpu.memory_space<hbm>> -> memref<40x128xi32, #tpu.memory_space<hbm>>
        %dma_wait3A_48 = arith.constant 40 : i32
        %dma_wait3A_49 = arith.constant 0 : i32
        %dma_wait3A_50 = tpu.memref_slice %arg2[%arg1, %dma_wait3A_48, %dma_wait3A_49] : memref<16x80x128xi32, #tpu.memory_space<hbm>> -> memref<1x40x128xi32, #tpu.memory_space<hbm>>
        %dma_wait3A_51 = tpu.memref_squeeze %dma_wait3A_50 : memref<1x40x128xi32, #tpu.memory_space<hbm>> -> memref<40x128xi32, #tpu.memory_space<hbm>>
        tpu.wait_dma2 semaphore(%run_scoped3A : memref<!tpu.dma_semaphore, #tpu.memory_space<semaphore_mem>>) src(%dma_wait3A_51 : memref<40x128xi32, #tpu.memory_space<hbm>>) dst(%arg9 : memref<40x128xi32, #tpu.memory_space<vmem>>)
        tpu.yield
      }) : () -> ()
      "tpu.region"() ({
        %run_scoped3A = tpu.sem_alloc : memref<!tpu.dma_semaphore, #tpu.memory_space<semaphore_mem>>
        %dma_start3A_37 = arith.constant 40 : i32
        %dma_start3A_38 = arith.constant 0 : i32
        %dma_start3A_39 = tpu.memref_slice %arg3[%arg1, %dma_start3A_37, %dma_start3A_38] : memref<16x80x128xi32, #tpu.memory_space<hbm>> -> memref<1x40x128xi32, #tpu.memory_space<hbm>>
        %dma_start3A_40 = tpu.memref_squeeze %dma_start3A_39 : memref<1x40x128xi32, #tpu.memory_space<hbm>> -> memref<40x128xi32, #tpu.memory_space<hbm>>
        %dma_start3A_41 = arith.constant 40 : i32
        %dma_start3A_42 = arith.constant 0 : i32
        %dma_start3A_43 = tpu.memref_slice %arg3[%arg1, %dma_start3A_41, %dma_start3A_42] : memref<16x80x128xi32, #tpu.memory_space<hbm>> -> memref<1x40x128xi32, #tpu.memory_space<hbm>>
        %dma_start3A_44 = tpu.memref_squeeze %dma_start3A_43 : memref<1x40x128xi32, #tpu.memory_space<hbm>> -> memref<40x128xi32, #tpu.memory_space<hbm>>
        tpu.enqueue_dma source(%dma_start3A_44 : memref<40x128xi32, #tpu.memory_space<hbm>>) target(%arg10 : memref<40x128xi32, #tpu.memory_space<vmem>>) target_semaphore(%run_scoped3A : memref<!tpu.dma_semaphore, #tpu.memory_space<semaphore_mem>>)
        %dma_wait3A = arith.constant 40 : i32
        %dma_wait3A_45 = arith.constant 0 : i32
        %dma_wait3A_46 = tpu.memref_slice %arg3[%arg1, %dma_wait3A, %dma_wait3A_45] : memref<16x80x128xi32, #tpu.memory_space<hbm>> -> memref<1x40x128xi32, #tpu.memory_space<hbm>>
        %dma_wait3A_47 = tpu.memref_squeeze %dma_wait3A_46 : memref<1x40x128xi32, #tpu.memory_space<hbm>> -> memref<40x128xi32, #tpu.memory_space<hbm>>
        %dma_wait3A_48 = arith.constant 40 : i32
        %dma_wait3A_49 = arith.constant 0 : i32
        %dma_wait3A_50 = tpu.memref_slice %arg3[%arg1, %dma_wait3A_48, %dma_wait3A_49] : memref<16x80x128xi32, #tpu.memory_space<hbm>> -> memref<1x40x128xi32, #tpu.memory_space<hbm>>
        %dma_wait3A_51 = tpu.memref_squeeze %dma_wait3A_50 : memref<1x40x128xi32, #tpu.memory_space<hbm>> -> memref<40x128xi32, #tpu.memory_space<hbm>>
        tpu.wait_dma2 semaphore(%run_scoped3A : memref<!tpu.dma_semaphore, #tpu.memory_space<semaphore_mem>>) src(%dma_wait3A_51 : memref<40x128xi32, #tpu.memory_space<hbm>>) dst(%arg10 : memref<40x128xi32, #tpu.memory_space<vmem>>)
        tpu.yield
      }) : () -> ()
      %dma_start3A_19 = arith.constant 0 : i32
      %dma_start3A_20 = arith.constant 0 : i32
      %dma_start3A_21 = tpu.memref_slice %arg9[%dma_start3A_19, %dma_start3A_20] : memref<40x128xi32, #tpu.memory_space<vmem>> -> memref<1x128xi32, #tpu.memory_space<vmem>>
      %dma_start3A_22 = tpu.memref_squeeze %dma_start3A_21 : memref<1x128xi32, #tpu.memory_space<vmem>> -> memref<128xi32, #tpu.memory_space<vmem>>
      %dma_start3A_23 = arith.constant 0 : i32
      %dma_start3A_24 = arith.constant 0 : i32
      %dma_start3A_25 = tpu.memref_slice %arg5[%dma_start3A_23, %dma_start3A_24] : memref<10000x128xf32, #tpu.memory_space<hbm>> -> memref<10000x128xf32, #tpu.memory_space<hbm>>
      tpu.enqueue_indirect_dma source(%dma_start3A_25 : memref<10000x128xf32, #tpu.memory_space<hbm>>) target(%arg11 : memref<128x128xf32, #tpu.memory_space<vmem>>) offsets(%dma_start3A_22 : memref<128xi32, #tpu.memory_space<vmem>>) semaphore(%arg14 : memref<!tpu.dma_semaphore, #tpu.memory_space<semaphore_mem>>)
      %scan3A_26 = arith.constant 0 : i32
      %scan3A_27 = arith.constant 0 : i32
      %scan3A_28 = arith.constant 20 : i32
      %scan3A_29 = arith.addi %scan3A_27, %scan3A_28 : i32
      %scan3A_30 = arith.constant 1 : i32
      scf.for %scan3A_37 = %scan3A_27 to %scan3A_29 step %scan3A_30  : i32 {
        %mul3A_38 = arith.constant 2 : i32
        %mul3A_39 = arith.muli %scan3A_37, %mul3A_38 : i32
        %add3A = arith.constant 1 : i32
        %add3A_40 = arith.addi %mul3A_39, %add3A : i32
        %dma_start3A_41 = arith.constant 0 : i32
        %dma_start3A_42 = tpu.memref_slice %arg9[%add3A_40, %dma_start3A_41] : memref<40x128xi32, #tpu.memory_space<vmem>> -> memref<1x128xi32, #tpu.memory_space<vmem>>
        %dma_start3A_43 = tpu.memref_squeeze %dma_start3A_42 : memref<1x128xi32, #tpu.memory_space<vmem>> -> memref<128xi32, #tpu.memory_space<vmem>>
        %dma_start3A_44 = arith.constant 0 : i32
        %dma_start3A_45 = arith.constant 0 : i32
        %dma_start3A_46 = tpu.memref_slice %arg5[%dma_start3A_44, %dma_start3A_45] : memref<10000x128xf32, #tpu.memory_space<hbm>> -> memref<10000x128xf32, #tpu.memory_space<hbm>>
        tpu.enqueue_indirect_dma source(%dma_start3A_46 : memref<10000x128xf32, #tpu.memory_space<hbm>>) target(%arg12 : memref<128x128xf32, #tpu.memory_space<vmem>>) offsets(%dma_start3A_43 : memref<128xi32, #tpu.memory_space<vmem>>) semaphore(%arg15 : memref<!tpu.dma_semaphore, #tpu.memory_space<semaphore_mem>>)
        %dma_wait3A = arith.constant 0 : i32
        %dma_wait3A_47 = tpu.memref_slice %arg9[%mul3A_39, %dma_wait3A] : memref<40x128xi32, #tpu.memory_space<vmem>> -> memref<1x128xi32, #tpu.memory_space<vmem>>
        %dma_wait3A_48 = tpu.memref_squeeze %dma_wait3A_47 : memref<1x128xi32, #tpu.memory_space<vmem>> -> memref<128xi32, #tpu.memory_space<vmem>>
        %dma_wait3A_49 = arith.constant 0 : i32
        %dma_wait3A_50 = arith.constant 0 : i32
        %dma_wait3A_51 = tpu.memref_slice %arg5[%dma_wait3A_49, %dma_wait3A_50] : memref<10000x128xf32, #tpu.memory_space<hbm>> -> memref<10000x128xf32, #tpu.memory_space<hbm>>
        tpu.wait_indirect_dma semaphore(%arg14 : memref<!tpu.dma_semaphore, #tpu.memory_space<semaphore_mem>>) src(%dma_wait3A_51 : memref<10000x128xf32, #tpu.memory_space<hbm>>) dst(%arg11 : memref<128x128xf32, #tpu.memory_space<vmem>>)
        "tpu.region"() ({
          %run_scoped3A = tpu.sem_alloc : memref<!tpu.dma_semaphore, #tpu.memory_space<semaphore_mem>>
          %dma_start3A_64 = arith.constant 0 : i32
          %dma_start3A_65 = tpu.memref_slice %arg10[%mul3A_39, %dma_start3A_64] : memref<40x128xi32, #tpu.memory_space<vmem>> -> memref<1x128xi32, #tpu.memory_space<vmem>>
          %dma_start3A_66 = tpu.memref_squeeze %dma_start3A_65 : memref<1x128xi32, #tpu.memory_space<vmem>> -> memref<128xi32, #tpu.memory_space<vmem>>
          %dma_start3A_67 = arith.constant 0 : i32
          %dma_start3A_68 = arith.constant 0 : i32
          %dma_start3A_69 = tpu.memref_slice %arg13[%dma_start3A_67, %dma_start3A_68] : memref<10240x128xf32, #tpu.memory_space<vmem_shared>> -> memref<10240x128xf32, #tpu.memory_space<vmem_shared>>
          tpu.enqueue_indirect_dma source(%arg11 : memref<128x128xf32, #tpu.memory_space<vmem>>) target(%dma_start3A_69 : memref<10240x128xf32, #tpu.memory_space<vmem_shared>>) offsets(%dma_start3A_66 : memref<128xi32, #tpu.memory_space<vmem>>) semaphore(%run_scoped3A : memref<!tpu.dma_semaphore, #tpu.memory_space<semaphore_mem>>) {add = true}
          %dma_wait3A_70 = arith.constant 0 : i32
          %dma_wait3A_71 = tpu.memref_slice %arg10[%mul3A_39, %dma_wait3A_70] : memref<40x128xi32, #tpu.memory_space<vmem>> -> memref<1x128xi32, #tpu.memory_space<vmem>>
          %dma_wait3A_72 = tpu.memref_squeeze %dma_wait3A_71 : memref<1x128xi32, #tpu.memory_space<vmem>> -> memref<128xi32, #tpu.memory_space<vmem>>
          %dma_wait3A_73 = arith.constant 0 : i32
          %dma_wait3A_74 = arith.constant 0 : i32
          %dma_wait3A_75 = tpu.memref_slice %arg13[%dma_wait3A_73, %dma_wait3A_74] : memref<10240x128xf32, #tpu.memory_space<vmem_shared>> -> memref<10240x128xf32, #tpu.memory_space<vmem_shared>>
          tpu.wait_indirect_dma semaphore(%run_scoped3A : memref<!tpu.dma_semaphore, #tpu.memory_space<semaphore_mem>>) src(%arg11 : memref<128x128xf32, #tpu.memory_space<vmem>>) dst(%dma_wait3A_75 : memref<10240x128xf32, #tpu.memory_space<vmem_shared>>)
          tpu.yield
        }) : () -> ()
        %add3A_52 = arith.constant 2 : i32
        %add3A_53 = arith.addi %mul3A_39, %add3A_52 : i32
        %lt3A = arith.constant 40 : i32
        %lt3A_54 = arith.cmpi slt, %add3A_53, %lt3A : i32
        %convert_element_type3A_55 = arith.extui %lt3A_54 : i1 to i32
        %cond3A_56 = arith.constant 0 : i32
        %cond3A_57 = arith.cmpi ne, %convert_element_type3A_55, %cond3A_56 : i32
        scf.if %cond3A_57 {
          %add3A_64 = arith.constant 2 : i32
          %add3A_65 = arith.addi %mul3A_39, %add3A_64 : i32
          %dma_start3A_66 = arith.constant 0 : i32
          %dma_start3A_67 = tpu.memref_slice %arg9[%add3A_65, %dma_start3A_66] : memref<40x128xi32, #tpu.memory_space<vmem>> -> memref<1x128xi32, #tpu.memory_space<vmem>>
          %dma_start3A_68 = tpu.memref_squeeze %dma_start3A_67 : memref<1x128xi32, #tpu.memory_space<vmem>> -> memref<128xi32, #tpu.memory_space<vmem>>
          %dma_start3A_69 = arith.constant 0 : i32
          %dma_start3A_70 = arith.constant 0 : i32
          %dma_start3A_71 = tpu.memref_slice %arg5[%dma_start3A_69, %dma_start3A_70] : memref<10000x128xf32, #tpu.memory_space<hbm>> -> memref<10000x128xf32, #tpu.memory_space<hbm>>
          tpu.enqueue_indirect_dma source(%dma_start3A_71 : memref<10000x128xf32, #tpu.memory_space<hbm>>) target(%arg11 : memref<128x128xf32, #tpu.memory_space<vmem>>) offsets(%dma_start3A_68 : memref<128xi32, #tpu.memory_space<vmem>>) semaphore(%arg14 : memref<!tpu.dma_semaphore, #tpu.memory_space<semaphore_mem>>)
        } else {
        }
        %dma_wait3A_58 = arith.constant 0 : i32
        %dma_wait3A_59 = tpu.memref_slice %arg9[%add3A_40, %dma_wait3A_58] : memref<40x128xi32, #tpu.memory_space<vmem>> -> memref<1x128xi32, #tpu.memory_space<vmem>>
        %dma_wait3A_60 = tpu.memref_squeeze %dma_wait3A_59 : memref<1x128xi32, #tpu.memory_space<vmem>> -> memref<128xi32, #tpu.memory_space<vmem>>
        %dma_wait3A_61 = arith.constant 0 : i32
        %dma_wait3A_62 = arith.constant 0 : i32
        %dma_wait3A_63 = tpu.memref_slice %arg5[%dma_wait3A_61, %dma_wait3A_62] : memref<10000x128xf32, #tpu.memory_space<hbm>> -> memref<10000x128xf32, #tpu.memory_space<hbm>>
        tpu.wait_indirect_dma semaphore(%arg15 : memref<!tpu.dma_semaphore, #tpu.memory_space<semaphore_mem>>) src(%dma_wait3A_63 : memref<10000x128xf32, #tpu.memory_space<hbm>>) dst(%arg12 : memref<128x128xf32, #tpu.memory_space<vmem>>)
        "tpu.region"() ({
          %run_scoped3A = tpu.sem_alloc : memref<!tpu.dma_semaphore, #tpu.memory_space<semaphore_mem>>
          %dma_start3A_64 = arith.constant 0 : i32
          %dma_start3A_65 = tpu.memref_slice %arg10[%add3A_40, %dma_start3A_64] : memref<40x128xi32, #tpu.memory_space<vmem>> -> memref<1x128xi32, #tpu.memory_space<vmem>>
          %dma_start3A_66 = tpu.memref_squeeze %dma_start3A_65 : memref<1x128xi32, #tpu.memory_space<vmem>> -> memref<128xi32, #tpu.memory_space<vmem>>
          %dma_start3A_67 = arith.constant 0 : i32
          %dma_start3A_68 = arith.constant 0 : i32
          %dma_start3A_69 = tpu.memref_slice %arg13[%dma_start3A_67, %dma_start3A_68] : memref<10240x128xf32, #tpu.memory_space<vmem_shared>> -> memref<10240x128xf32, #tpu.memory_space<vmem_shared>>
          tpu.enqueue_indirect_dma source(%arg12 : memref<128x128xf32, #tpu.memory_space<vmem>>) target(%dma_start3A_69 : memref<10240x128xf32, #tpu.memory_space<vmem_shared>>) offsets(%dma_start3A_66 : memref<128xi32, #tpu.memory_space<vmem>>) semaphore(%run_scoped3A : memref<!tpu.dma_semaphore, #tpu.memory_space<semaphore_mem>>) {add = true}
          %dma_wait3A_70 = arith.constant 0 : i32
          %dma_wait3A_71 = tpu.memref_slice %arg10[%add3A_40, %dma_wait3A_70] : memref<40x128xi32, #tpu.memory_space<vmem>> -> memref<1x128xi32, #tpu.memory_space<vmem>>
          %dma_wait3A_72 = tpu.memref_squeeze %dma_wait3A_71 : memref<1x128xi32, #tpu.memory_space<vmem>> -> memref<128xi32, #tpu.memory_space<vmem>>
          %dma_wait3A_73 = arith.constant 0 : i32
          %dma_wait3A_74 = arith.constant 0 : i32
          %dma_wait3A_75 = tpu.memref_slice %arg13[%dma_wait3A_73, %dma_wait3A_74] : memref<10240x128xf32, #tpu.memory_space<vmem_shared>> -> memref<10240x128xf32, #tpu.memory_space<vmem_shared>>
          tpu.wait_indirect_dma semaphore(%run_scoped3A : memref<!tpu.dma_semaphore, #tpu.memory_space<semaphore_mem>>) src(%arg12 : memref<128x128xf32, #tpu.memory_space<vmem>>) dst(%dma_wait3A_75 : memref<10240x128xf32, #tpu.memory_space<vmem_shared>>)
          tpu.yield
        }) : () -> ()
      }
      %scan3A_31 = arith.constant 20 : i32
      %barrier3A_32 = arith.constant 0 : index
      tpu.barrier barrier_id(%barrier3A_32)
      %mul3A_33 = arith.constant 640 : i32
      %mul3A_34 = arith.muli %arg1, %mul3A_33 : i32
      %mul3A_35 = arith.constant 640 : i32
      %mul3A_36 = arith.muli %arg1, %mul3A_35 : i32
      "tpu.region"() ({
        %run_scoped3A = tpu.sem_alloc : memref<!tpu.dma_semaphore, #tpu.memory_space<semaphore_mem>>
        %dma_start3A_37 = arith.constant 0 : i32
        %dma_start3A_38 = tpu.memref_slice %arg8[%mul3A_36, %dma_start3A_37] : memref<10240x128xf32, #tpu.memory_space<hbm>> -> memref<640x128xf32, #tpu.memory_space<hbm>>
        %dma_start3A_39 = arith.constant 0 : i32
        %dma_start3A_40 = tpu.memref_slice %arg13[%mul3A_34, %dma_start3A_39] : memref<10240x128xf32, #tpu.memory_space<vmem_shared>> -> memref<640x128xf32, #tpu.memory_space<vmem_shared>>
        tpu.enqueue_dma source(%dma_start3A_40 : memref<640x128xf32, #tpu.memory_space<vmem_shared>>) target(%dma_start3A_38 : memref<640x128xf32, #tpu.memory_space<hbm>>) target_semaphore(%run_scoped3A : memref<!tpu.dma_semaphore, #tpu.memory_space<semaphore_mem>>)
        %dma_wait3A = arith.constant 0 : i32
        %dma_wait3A_41 = tpu.memref_slice %arg8[%mul3A_36, %dma_wait3A] : memref<10240x128xf32, #tpu.memory_space<hbm>> -> memref<640x128xf32, #tpu.memory_space<hbm>>
        %dma_wait3A_42 = arith.constant 0 : i32
        %dma_wait3A_43 = tpu.memref_slice %arg13[%mul3A_34, %dma_wait3A_42] : memref<10240x128xf32, #tpu.memory_space<vmem_shared>> -> memref<640x128xf32, #tpu.memory_space<vmem_shared>>
        tpu.wait_dma2 semaphore(%run_scoped3A : memref<!tpu.dma_semaphore, #tpu.memory_space<semaphore_mem>>) src(%dma_wait3A_43 : memref<640x128xf32, #tpu.memory_space<vmem_shared>>) dst(%dma_wait3A_41 : memref<640x128xf32, #tpu.memory_space<hbm>>)
        tpu.yield
      }) : () -> ()
    } else {
    }
    return
  }
}

module attributes {stable_mosaic.version = 14 : i64} {
  func.func @_h2_body(%arg0: i32, %arg1: memref<1000x256xf32, #tpu.memory_space<vmem>>, %arg2: memref<256x256xf32, #tpu.memory_space<vmem>>, %arg3: memref<2x1000x128xf32, #tpu.memory_space<vmem>>, %arg4: memref<1000x128xf32, #tpu.memory_space<vmem>>, %arg5: memref<1000x128xf32, #tpu.memory_space<vmem>>) attributes {dimension_semantics = [#tpu.dimension_semantics<arbitrary>], iteration_bounds = array<i64: 10>, scalar_prefetch = 0 : i64, scratch_operands = 0 : i64, tpu.core_type = #tpu.core_type<tc>, window_params = [{transform_indices = @transform_0, window_bounds = array<i64: 1000, 256>}, {pipeline_mode = #tpu.pipeline_mode<synchronous>, transform_indices = @transform_1, window_bounds = array<i64: 256, 256>}, {transform_indices = @transform_2, window_bounds = array<i64: 2, 1000, 128>}, {transform_indices = @transform_3, window_bounds = array<i64: 1000, 128>}, {transform_indices = @transform_4, window_bounds = array<i64: 1000, 128>}]} {
    %get3A = arith.constant 0 : index
    %get3A_0 = arith.constant 0 : index
    %get3A_1 = arith.constant 0 : index
    %get3A_2 = vector.load %arg3[%get3A, %get3A_0, %get3A_1] : memref<2x1000x128xf32, #tpu.memory_space<vmem>>, vector<1x1000x1xf32>
    %get3A_3 = vector.shape_cast %get3A_2 : vector<1x1000x1xf32> to vector<1000x1xf32>
    %get3A_4 = arith.constant 1 : index
    %get3A_5 = arith.constant 0 : index
    %get3A_6 = arith.constant 0 : index
    %get3A_7 = vector.load %arg3[%get3A_4, %get3A_5, %get3A_6] : memref<2x1000x128xf32, #tpu.memory_space<vmem>>, vector<1x1000x1xf32>
    %get3A_8 = vector.shape_cast %get3A_7 : vector<1x1000x1xf32> to vector<1000x1xf32>
    %add3A = arith.addf %get3A_3, %get3A_8 : vector<1000x1xf32>
    %add3A_9 = arith.constant 1.000000e+00 : f32
    %add3A_10 = vector.broadcast %add3A_9 : f32 to vector<1000x1xf32>
    %add3A_11 = arith.addf %add3A, %add3A_10 : vector<1000x1xf32>
    %rsqrt3A = math.rsqrt %add3A_11 : vector<1000x1xf32>
    %get3A_12 = arith.constant 0 : index
    %get3A_13 = arith.constant 0 : index
    %get3A_14 = vector.load %arg1[%get3A_12, %get3A_13] : memref<1000x256xf32, #tpu.memory_space<vmem>>, vector<1000x256xf32>
    %get3A_15 = arith.constant 0 : index
    %get3A_16 = arith.constant 0 : index
    %get3A_17 = vector.load %arg2[%get3A_15, %get3A_16] : memref<256x256xf32, #tpu.memory_space<vmem>>, vector<256x256xf32>
    %dot_general3A = arith.constant dense<0.000000e+00> : vector<1000x256xf32>
    %dot_general3A_18 = tpu.matmul %get3A_14, %get3A_17, %dot_general3A {dimension_numbers = #tpu.dot_dimension_numbers<[1], [0], [0], [1], [0, 0, 1, 1], [], []>, transpose_lhs_hint = false} : vector<1000x256xf32>, vector<256x256xf32>, vector<1000x256xf32> -> vector<1000x256xf32>
    %mul3A = vector.broadcast %rsqrt3A : vector<1000x1xf32> to vector<1000x256xf32>
    %mul3A_19 = arith.mulf %dot_general3A_18, %mul3A : vector<1000x256xf32>
    %slice3A = vector.extract_strided_slice %mul3A_19 {offsets = [0, 0], sizes = [1000, 128], strides = [1, 1]} : vector<1000x256xf32> to vector<1000x128xf32>
    %swap3A = arith.constant 0 : index
    %swap3A_20 = arith.constant 0 : index
    %swap3A_21 = vector.load %arg4[%swap3A, %swap3A_20] : memref<1000x128xf32, #tpu.memory_space<vmem>>, vector<1000x128xf32>
    tpu.vector_store %arg4[%swap3A, %swap3A_20], %slice3A {strides = array<i32>} : memref<1000x128xf32, #tpu.memory_space<vmem>>, vector<1000x128xf32>,
    %slice3A_22 = vector.extract_strided_slice %mul3A_19 {offsets = [0, 128], sizes = [1000, 128], strides = [1, 1]} : vector<1000x256xf32> to vector<1000x128xf32>
    %swap3A_23 = arith.constant 0 : index
    %swap3A_24 = arith.constant 0 : index
    %swap3A_25 = vector.load %arg5[%swap3A_23, %swap3A_24] : memref<1000x128xf32, #tpu.memory_space<vmem>>, vector<1000x128xf32>
    tpu.vector_store %arg5[%swap3A_23, %swap3A_24], %slice3A_22 {strides = array<i32>} : memref<1000x128xf32, #tpu.memory_space<vmem>>, vector<1000x128xf32>,
    return
  }
  func.func @transform_0(%arg0: i32) -> (i32, i32) {
    %c0_i32 = arith.constant 0 : i32
    %c0_i32_0 = arith.constant 0 : i32
    return %arg0, %c0_i32 : i32, i32
  }
  func.func @transform_1(%arg0: i32) -> (i32, i32) {
    %c0_i32 = arith.constant 0 : i32
    %c0_i32_0 = arith.constant 0 : i32
    %c0_i32_1 = arith.constant 0 : i32
    return %c0_i32, %c0_i32_0 : i32, i32
  }
  func.func @transform_2(%arg0: i32) -> (i32, i32, i32) {
    %c0_i32 = arith.constant 0 : i32
    %c0_i32_0 = arith.constant 0 : i32
    %c0_i32_1 = arith.constant 0 : i32
    return %c0_i32, %arg0, %c0_i32_0 : i32, i32, i32
  }
  func.func @transform_3(%arg0: i32) -> (i32, i32) {
    %c0_i32 = arith.constant 0 : i32
    %c0_i32_0 = arith.constant 0 : i32
    return %arg0, %c0_i32 : i32, i32
  }
  func.func @transform_4(%arg0: i32) -> (i32, i32) {
    %c0_i32 = arith.constant 0 : i32
    %c0_i32_0 = arith.constant 0 : i32
    return %arg0, %c0_i32 : i32, i32
  }
}

module attributes {stable_mosaic.version = 14 : i64} {
  func.func @_final_body(%arg0: i32, %arg1: memref<1000x256xf32, #tpu.memory_space<vmem>>, %arg2: memref<1000x128xf32, #tpu.memory_space<vmem>>, %arg3: memref<1000x128xf32, #tpu.memory_space<vmem>>, %arg4: memref<1000x128xf32, #tpu.memory_space<vmem>>, %arg5: memref<1000x128xf32, #tpu.memory_space<vmem>>, %arg6: memref<2x1000x128xf32, #tpu.memory_space<vmem>>, %arg7: memref<1x256xf32, #tpu.memory_space<vmem>>, %arg8: memref<1000x256xf32, #tpu.memory_space<vmem>>) attributes {dimension_semantics = [#tpu.dimension_semantics<arbitrary>], iteration_bounds = array<i64: 10>, scalar_prefetch = 0 : i64, scratch_operands = 0 : i64, tpu.core_type = #tpu.core_type<tc>, window_params = [{transform_indices = @transform_0, window_bounds = array<i64: 1000, 256>}, {transform_indices = @transform_1, window_bounds = array<i64: 1000, 128>}, {transform_indices = @transform_2, window_bounds = array<i64: 1000, 128>}, {transform_indices = @transform_3, window_bounds = array<i64: 1000, 128>}, {transform_indices = @transform_4, window_bounds = array<i64: 1000, 128>}, {transform_indices = @transform_5, window_bounds = array<i64: 2, 1000, 128>}, {pipeline_mode = #tpu.pipeline_mode<synchronous>, transform_indices = @transform_6, window_bounds = array<i64: 1, 256>}, {transform_indices = @transform_7, window_bounds = array<i64: 1000, 256>}]} {
    %get3A = arith.constant 0 : index
    %get3A_0 = arith.constant 0 : index
    %get3A_1 = arith.constant 0 : index
    %get3A_2 = vector.load %arg6[%get3A, %get3A_0, %get3A_1] : memref<2x1000x128xf32, #tpu.memory_space<vmem>>, vector<1x1000x1xf32>
    %get3A_3 = vector.shape_cast %get3A_2 : vector<1x1000x1xf32> to vector<1000x1xf32>
    %get3A_4 = arith.constant 1 : index
    %get3A_5 = arith.constant 0 : index
    %get3A_6 = arith.constant 0 : index
    %get3A_7 = vector.load %arg6[%get3A_4, %get3A_5, %get3A_6] : memref<2x1000x128xf32, #tpu.memory_space<vmem>>, vector<1x1000x1xf32>
    %get3A_8 = vector.shape_cast %get3A_7 : vector<1x1000x1xf32> to vector<1000x1xf32>
    %add3A = arith.addf %get3A_3, %get3A_8 : vector<1000x1xf32>
    %add3A_9 = arith.constant 1.000000e+00 : f32
    %add3A_10 = vector.broadcast %add3A_9 : f32 to vector<1000x1xf32>
    %add3A_11 = arith.addf %add3A, %add3A_10 : vector<1000x1xf32>
    %rsqrt3A = math.rsqrt %add3A_11 : vector<1000x1xf32>
    %get3A_12 = arith.constant 0 : index
    %get3A_13 = arith.constant 0 : index
    %get3A_14 = vector.load %arg2[%get3A_12, %get3A_13] : memref<1000x128xf32, #tpu.memory_space<vmem>>, vector<1000x128xf32>
    %get3A_15 = arith.constant 0 : index
    %get3A_16 = arith.constant 0 : index
    %get3A_17 = vector.load %arg4[%get3A_15, %get3A_16] : memref<1000x128xf32, #tpu.memory_space<vmem>>, vector<1000x128xf32>
    %add3A_18 = arith.addf %get3A_14, %get3A_17 : vector<1000x128xf32>
    %mul3A = vector.broadcast %rsqrt3A : vector<1000x1xf32> to vector<1000x128xf32>
    %mul3A_19 = arith.mulf %add3A_18, %mul3A : vector<1000x128xf32>
    %get3A_20 = arith.constant 0 : index
    %get3A_21 = arith.constant 0 : index
    %get3A_22 = vector.load %arg7[%get3A_20, %get3A_21] : memref<1x256xf32, #tpu.memory_space<vmem>>, vector<1x128xf32>
    %add3A_23 = vector.broadcast %get3A_22 : vector<1x128xf32> to vector<1000x128xf32>
    %add3A_24 = arith.addf %mul3A_19, %add3A_23 : vector<1000x128xf32>
    %get3A_25 = arith.constant 0 : index
    %get3A_26 = arith.constant 0 : index
    %get3A_27 = vector.load %arg3[%get3A_25, %get3A_26] : memref<1000x128xf32, #tpu.memory_space<vmem>>, vector<1000x128xf32>
    %get3A_28 = arith.constant 0 : index
    %get3A_29 = arith.constant 0 : index
    %get3A_30 = vector.load %arg5[%get3A_28, %get3A_29] : memref<1000x128xf32, #tpu.memory_space<vmem>>, vector<1000x128xf32>
    %add3A_31 = arith.addf %get3A_27, %get3A_30 : vector<1000x128xf32>
    %mul3A_32 = vector.broadcast %rsqrt3A : vector<1000x1xf32> to vector<1000x128xf32>
    %mul3A_33 = arith.mulf %add3A_31, %mul3A_32 : vector<1000x128xf32>
    %get3A_34 = arith.constant 0 : index
    %get3A_35 = arith.constant 128 : index
    %get3A_36 = vector.load %arg7[%get3A_34, %get3A_35] : memref<1x256xf32, #tpu.memory_space<vmem>>, vector<1x128xf32>
    %add3A_37 = vector.broadcast %get3A_36 : vector<1x128xf32> to vector<1000x128xf32>
    %add3A_38 = arith.addf %mul3A_33, %add3A_37 : vector<1000x128xf32>
    %get3A_39 = arith.constant 0 : index
    %get3A_40 = arith.constant 0 : index
    %get3A_41 = vector.load %arg1[%get3A_39, %get3A_40] : memref<1000x256xf32, #tpu.memory_space<vmem>>, vector<1000x128xf32>
    %max3A = arith.constant 0.000000e+00 : f32
    %max3A_42 = vector.broadcast %max3A : f32 to vector<1000x128xf32>
    %max3A_43 = arith.maximumf %add3A_24, %max3A_42 : vector<1000x128xf32>
    %add3A_44 = arith.addf %get3A_41, %max3A_43 : vector<1000x128xf32>
    %swap3A = arith.constant 0 : index
    %swap3A_45 = arith.constant 0 : index
    %swap3A_46 = vector.load %arg8[%swap3A, %swap3A_45] : memref<1000x256xf32, #tpu.memory_space<vmem>>, vector<1000x128xf32>
    tpu.vector_store %arg8[%swap3A, %swap3A_45], %add3A_44 {strides = array<i32>} : memref<1000x256xf32, #tpu.memory_space<vmem>>, vector<1000x128xf32>,
    %get3A_47 = arith.constant 0 : index
    %get3A_48 = arith.constant 128 : index
    %get3A_49 = vector.load %arg1[%get3A_47, %get3A_48] : memref<1000x256xf32, #tpu.memory_space<vmem>>, vector<1000x128xf32>
    %max3A_50 = arith.constant 0.000000e+00 : f32
    %max3A_51 = vector.broadcast %max3A_50 : f32 to vector<1000x128xf32>
    %max3A_52 = arith.maximumf %add3A_38, %max3A_51 : vector<1000x128xf32>
    %add3A_53 = arith.addf %get3A_49, %max3A_52 : vector<1000x128xf32>
    %swap3A_54 = arith.constant 0 : index
    %swap3A_55 = arith.constant 128 : index
    %swap3A_56 = vector.load %arg8[%swap3A_54, %swap3A_55] : memref<1000x256xf32, #tpu.memory_space<vmem>>, vector<1000x128xf32>
    tpu.vector_store %arg8[%swap3A_54, %swap3A_55], %add3A_53 {strides = array<i32>} : memref<1000x256xf32, #tpu.memory_space<vmem>>, vector<1000x128xf32>,
    return
  }
  func.func @transform_0(%arg0: i32) -> (i32, i32) {
    %c0_i32 = arith.constant 0 : i32
    %c0_i32_0 = arith.constant 0 : i32
    return %arg0, %c0_i32 : i32, i32
  }
  func.func @transform_1(%arg0: i32) -> (i32, i32) {
    %c0_i32 = arith.constant 0 : i32
    %c0_i32_0 = arith.constant 0 : i32
    return %arg0, %c0_i32 : i32, i32
  }
  func.func @transform_2(%arg0: i32) -> (i32, i32) {
    %c0_i32 = arith.constant 0 : i32
    %c0_i32_0 = arith.constant 0 : i32
    return %arg0, %c0_i32 : i32, i32
  }
  func.func @transform_3(%arg0: i32) -> (i32, i32) {
    %c0_i32 = arith.constant 0 : i32
    %c0_i32_0 = arith.constant 0 : i32
    return %arg0, %c0_i32 : i32, i32
  }
  func.func @transform_4(%arg0: i32) -> (i32, i32) {
    %c0_i32 = arith.constant 0 : i32
    %c0_i32_0 = arith.constant 0 : i32
    return %arg0, %c0_i32 : i32, i32
  }
  func.func @transform_5(%arg0: i32) -> (i32, i32, i32) {
    %c0_i32 = arith.constant 0 : i32
    %c0_i32_0 = arith.constant 0 : i32
    %c0_i32_1 = arith.constant 0 : i32
    return %c0_i32, %arg0, %c0_i32_0 : i32, i32, i32
  }
  func.func @transform_6(%arg0: i32) -> (i32, i32) {
    %c0_i32 = arith.constant 0 : i32
    %c0_i32_0 = arith.constant 0 : i32
    %c0_i32_1 = arith.constant 0 : i32
    return %c0_i32, %c0_i32_0 : i32, i32
  }
  func.func @transform_7(%arg0: i32) -> (i32, i32) {
    %c0_i32 = arith.constant 0 : i32
    %c0_i32_0 = arith.constant 0 : i32
    return %arg0, %c0_i32 : i32, i32
  }
}

</mosaic_0001>

<sc_bundles>
// kernel: kernel.6.cloned.1.call-start
scs
__scs_entry_jumppad:
0x0: {  	(pc) =	sbr.rel $0x88, $3  }
0x1: {  	(tag) =	ssettag $0x0;
	lr =	simm.s32 $0x1  }
0x2: {  	[smem:$0x3F9D] =	sst lr;
	_ =	strace $0xD0000000  }
0x3: {  	_ = 	snop  }
0x4: {  	_ = 	snop  }
0x5: {  	_ = 	snop  }
0x6: {  	_ = 	snop  }
0x7: {  	_ = 	snop  }
__scs_overlays_trampoline_lowered:
0x8: {  	[smem:$0x3FAC] =	sst s0  }
0x9: {  	[smem:$0x3FAD] =	sst s1  }
0xa: {  	[smem:$0x3FAE] =	sst s2  }
0xb: {  	[smem:$0x3FAF] =	sst s3  }
0xc: {  	[smem:$0x3FB0] =	sst s4  }
0xd: {  	[smem:$0x3FB1] =	sst s5  }
0xe: {  	[smem:$0x3FB2] =	sst s6  }
0xf: {  	[smem:$0x3FB3] =	sst s7  }
0x10: {  	[smem:$0x3FB4] =	sst s8  }
0x11: {  	[smem:$0x3FB5] =	sst s9;
	s0 =	simm.s32 @!p0 $0x0  }
0x12: {  	s1 =	sld [smem:$0x3F9B];
	s0 =	simm.s32 @p0 $0x1  }
0x13: {  	[smem:$0x3FB6] =	sst s0;
	s0 =	simm.s32 @!p1 $0x0  }
0x14: {  	s2 =	sld [smem:$0x3F9A];
	s0 =	simm.s32 @p1 $0x1  }
0x15: {  	[smem:$0x3FB7] =	sst s0;
	s0 =	simm.s32 @!p2 $0x0  }
0x16: {  	s3 =	sld [smem:$0x3FDB];
	s0 =	simm.s32 @p2 $0x1  }
0x17: {  	s4 =	simm.s32 $0x1BF5;
	[smem:$0x3FB9] =	sst s0  }
0x18: {  	s0 =	sld [smem:$0x3F9C];
	_ =	swait.ge [sflag:s4], $0x0  }
0x19: {  	s7 =	sld [smem:$0x3F9D]  }
0x1a: {  	s8 =	sadd.s32 $0xFFFFE003, lr  }
0x1b: {  	s9 =	sadd.s32 $0xFFFFFEF7, lr;
	s5 =	simm.s32 $0xFFFFFFFF;
	p2 =	slt.u32 s8, $0xFFFFF086  }
0x1c: {  	p1 =	slt.u32 s9, $0xF7A;
	s5 =	simm.s32 @!p2 $0x0  }
0x1d: {  	s5 =	simm.s32 @p1 $0x1;
	p0 =	seq.s32 s7, s2  }
0x1e: {  	s7 =	smul.u32 @!p0 $0xF7A, s2;
	p2 =	seq.s32 @!p0 s5, $0x0  }
0x1f: {  	s9 =	smul.u32 $0xF7A, s1;
	s8 =	simm.s32 @!p0 $0x1BF5;
	p2 =	por !p2, p0  }
0x20: {  	[sflag:s8] =	ssyncset.s32 @!p0 $0xFFFFF086;
	s6 =	sadd.s32 @!p0 s3, s7;
	s7 =	simm.s32 @!p0 $0x108  }
0x21: {  	s3 =	sadd.s32 s3, s9;
	s6 =	sadd.s32 @!p0 $0x88, s6;
	s7 =	simm.s32 @p2 $0x1082  }
0x22: {  	[simem:s7], [sflag:s8] =	dma.local @!p0 [hbm:s6], $0xF7A  }
0x23: {  	s9 =	sor.u32 $0xD0000000, s2;
	s6 =	simm.s32 $0x108;
	_ =	swait.ge @!p0 [sflag:s8], $0x0  }
0x24: {  	s3 =	sadd.s32 $0x88, s3;
	s6 =	simm.s32 @!p1 $0x1082;
	[sflag:s4] =	ssyncset.s32 $0xFFFFF086  }
0x25: {  	[simem:s6], [sflag:s4] =	dma.local [hbm:s3], $0xF7A  }
0x26: {  	[smem:$0x3F9D] =	sst s1;
	(tag) =	ssettag s2;
	_ =	strace s9  }
0x27: {  	s1 =	sld [smem:$0x3FAD]  }
0x28: {  	s2 =	sld [smem:$0x3FAE]  }
0x29: {  	s4 =	sld [smem:$0x3FB0]  }
0x2a: {  	p0 =	seq.s32 s5, $0x0;
	s5 =	sld [smem:$0x3FB1]  }
0x2b: {  	s6 =	sld [smem:$0x3FB2]  }
0x2c: {  	s7 =	sld [smem:$0x3FB3]  }
0x2d: {  	s3 =	simm.s32 $0x108;
	s8 =	sld [smem:$0x3FB4]  }
0x2e: {  	s3 =	simm.s32 @!p0 $0x1082;
	s9 =	sld [smem:$0x3FB5]  }
0x2f: {  	lr =	sadd.s32 s0, s3;
	s0 =	sld [smem:$0x3FAC]  }
0x30: {  	s3 =	sld [smem:$0x3FAF]  }
0x31: {  	[smem:$0x3FB8] =	sst s10  }
0x32: {  	s10 =	sld [smem:$0x3FB6];
	_ =	sdelay $0x3  }
0x33: {  	p0 =	seq.s32 s10, $0x1;
	s10 =	sld [smem:$0x3FB8];
	_ =	sdelay $0x3  }
0x34: {  	[smem:$0x3FB8] =	sst s10  }
0x35: {  	s10 =	sld [smem:$0x3FB7];
	_ =	sdelay $0x3  }
0x36: {  	p1 =	seq.s32 s10, $0x1;
	s10 =	sld [smem:$0x3FB8];
	_ =	sdelay $0x3  }
0x37: {  	[smem:$0x3FB8] =	sst s10  }
0x38: {  	s10 =	sld [smem:$0x3FB9]  }
0x39: {  	_ = 	snop;
	(pc) =	sbr.ind lr, $3  }
0x3a: {  	_ = 	snop  }
0x3b: {  	_ = 	snop  }
0x3c: {  	p2 =	seq.s32 s10, $0x1;
	s10 =	sld [smem:$0x3FB8]  }
0x3d: {  	_ =	shalt  }
0x3e: {  	_ =	shalt  }
0x3f: {  	_ =	shalt  }
0x40: {  	_ =	shalt  }
0x41: {  	_ =	shalt  }
0x42: {  	_ =	shalt  }
0x43: {  	_ =	shalt  }
0x44: {  	_ =	shalt  }
0x45: {  	_ =	shalt  }
0x46: {  	_ =	shalt  }
0x47: {  	_ =	shalt  }
0x48: {  	_ =	shalt  }
0x49: {  	_ =	shalt  }
0x4a: {  	_ =	shalt  }
0x4b: {  	_ =	shalt  }
0x4c: {  	_ =	shalt  }
0x4d: {  	_ =	shalt  }
0x4e: {  	_ =	shalt  }
0x4f: {  	_ =	shalt  }
0x50: {  	_ =	shalt  }
0x51: {  	_ =	shalt  }
0x52: {  	_ =	shalt  }
0x53: {  	_ =	shalt  }
0x54: {  	_ =	shalt  }
0x55: {  	_ =	shalt  }
0x56: {  	_ =	shalt  }
0x57: {  	_ =	shalt  }
0x58: {  	_ =	shalt  }
0x59: {  	_ =	shalt  }
0x5a: {  	_ =	shalt  }
0x5b: {  	_ =	shalt  }
0x5c: {  	_ =	shalt  }
0x5d: {  	_ =	shalt  }
0x5e: {  	_ =	shalt  }
0x5f: {  	_ =	shalt  }
0x60: {  	_ =	shalt  }
0x61: {  	_ =	shalt  }
0x62: {  	_ =	shalt  }
0x63: {  	_ =	shalt  }
0x64: {  	_ =	shalt  }
0x65: {  	_ =	shalt  }
0x66: {  	_ =	shalt  }
0x67: {  	_ =	shalt  }
0x68: {  	_ =	shalt  }
0x69: {  	_ =	shalt  }
0x6a: {  	_ =	shalt  }
0x6b: {  	_ =	shalt  }
0x6c: {  	_ =	shalt  }
0x6d: {  	_ =	shalt  }
0x6e: {  	_ =	shalt  }
0x6f: {  	_ =	shalt  }
0x70: {  	_ =	shalt  }
0x71: {  	_ =	shalt  }
0x72: {  	_ =	shalt  }
0x73: {  	_ =	shalt  }
0x74: {  	_ =	shalt  }
0x75: {  	_ =	shalt  }
0x76: {  	_ =	shalt  }
0x77: {  	_ =	shalt  }
0x78: {  	_ =	shalt  }
0x79: {  	_ =	shalt  }
0x7a: {  	_ =	shalt  }
0x7b: {  	_ =	shalt  }
0x7c: {  	_ =	shalt  }
0x7d: {  	_ =	shalt  }
0x7e: {  	_ =	shalt  }
0x7f: {  	_ =	shalt  }
0x80: {  	_ =	shalt  }
0x81: {  	_ =	shalt  }
0x82: {  	_ =	shalt  }
0x83: {  	_ =	shalt  }
0x84: {  	_ =	shalt  }
0x85: {  	_ =	shalt  }
0x86: {  	_ =	shalt  }
0x87: {  	_ =	shalt  }
.Lfunc_end0:
.L_simem_size_0:
called_computation_lowered:
.L_overlay_start_0:
0x88: {  	s2 =	sld [smem:$0x3FD9]  }
0x89: {  	s3 =	sld [smem:$0x3FFE];
	_ =	sdelay $0x1  }
0x8a: {  	s1 =	srdreg.scid  }
0x8b: {  	s0 =	sand.u32 $0x1, s1  }
0x8c: {  	s17 =	sshll.u32 s0, $0xA;
	s2 =	sadd.s32 s3, s2  }
0x8d: {  	s2 =	sadd.s32 s2, s17  }
0x8e: {  	[smem:$0x3FC4] =	sst s2  }
0x8f: {  	_ = 	snop  }
0x90: {  	s2 =	sld [smem:$0x3FD0];
	(tm) =	ssettm $0x1  }
0x91: {  	s18 =	sld [smem:$0x3FFB];
	_ =	sdelay $0x3  }
0x92: {  	_ =	strace s18  }
0x93: {  	s3 =	sld [smem:$0x3FFC];
	_ =	sdelay $0x3  }
0x94: {  	_ =	strace s3  }
0x95: {  	s3 =	sld [smem:$0x3FFD];
	_ =	sdelay $0x3  }
0x96: {  	_ =	strace s3  }
0x97: {  	_ =	strace $0x8FFFFFFF  }
0x98: {  	s19 =	sld [smem:$0x3FDB];
	_ =	sdelay $0x1  }
0x99: {  	s4 =	simm.s32 $_scs_section_size  }
0x9a: {  	s5 =	simm.s32 $_size__tile_overlayer_lowered;
	s6 =	simm.s32 $_tile_overlayer_lowered  }
0x9b: {  	s22 =	simm.s32 $0x1BFF;
	s21 =	sshll.u32 s6, $0x1;
	s3 =	sadd.s32 s4, s19  }
0x9c: {  	s7 =	simm.s32 $0x0;
	s20 =	sshll.u32 s5, $0x1;
	s5 =	sadd.s32 s21, s3  }
0x9d: {  	[timem:s7], [sflag:s22] =	dma.local [hbm:s5], s20  }
0x9e: {  	_ =	swait.ge [sflag:s22], s20  }
0x9f: {  	s4 =	ssub.s32 $0x0, s20;
	[sflag:s22] =	ssyncset.done $0x0  }
0xa0: {  	[sflag:s22] =	ssyncadd.s32 s4;
	_ =	sdelay $0x1  }
0xa1: {  	s23 =	simm.s32 $0x1B8B  }
0xa2: {  	_ =	swait.ge [sflag:s23], $0x1  }
0xa3: {  	[sflag:s23] =	ssyncset.done $0x0  }
0xa4: {  	s25 =	simm.s32 $0x1B8E;
	s24 =	sld [smem:$0x3FFE];
	[sflag:s23] =	ssyncadd.s32 $0xFFFFFFFF  }
0xa5: {  	s26 =	simm.s32 $execute0_lowered;
	[smem:$0x3FD2] =	sst s25  }
0xa6: {  	s5 =	sshll.u32 s26, $0x1;
	_ =	strace $0x80000046;
	[dreg:$0x1] =	wrdreg $0xFFFFFFFF  }
0xa7: {  	s28 =	simm.s32 $_size_execute0_lowered;
	s3 =	sadd.s32 s3, s5;
	[dreg:$0x0] =	wrdreg $0x0  }
0xa8: {  	s5 =	sshll.u32 s28, $0x1;
	[dreg:$0x2] =	wrdreg s3  }
0xa9: {  	[dreg:$0x3] =	wrdreg s5  }
0xaa: {  	[dreg:$0x4] =	wrdreg $0xC0  }
0xab: {  	_ =	task [dreg:s7], $0x5FFFF  }
0xac: {  	[dreg:$0x1] =	wrdreg $0xFFFFFFFF  }
0xad: {  	[dreg:$0x0] =	wrdreg $0x60  }
0xae: {  	[dreg:$0x2] =	wrdreg s24  }
0xaf: {  	[dreg:$0x3] =	wrdreg s2  }
0xb0: {  	[dreg:$0x4] =	wrdreg $0x54000  }
0xb1: {  	[dreg:$0x5] =	wrdreg $0x9  }
0xb2: {  	_ =	task.clear_ibuf [dreg:s7], $0x6FFFF;
	_ =	strace $0x90000046  }
0xb3: {  	s29 =	simm.s32 $0x9;
	_ =	strace $0x80000048  }
0xb4: {  	_ =	swait.ge [sflag:s29], $0x1  }
0xb5: {  	[sflag:s29] =	ssyncadd.s32 $0xFFFFFFFF  }
0xb6: {  	_ =	strace $0x90000048  }
0xb7: {  	_ =	sfence  }
0xb8: {  	s30 =	sld [smem:$0x0];
	_ =	sdelay $0x2  }
0xb9: {  	s31 =	sshll.u32 s1, $0xD;
	s1 =	sshrl.u32 s1, $0x2  }
0xba: {  	s3 =	sand.u32 $0x4000, s31;
	s1 =	sadd.s32 s1, s30  }
0xbb: {  	s0 =	sor.u32 s3, s0;
	s1 =	sshll.u32 s1, $0x11  }
0xbc: {  	s0 =	sor.u32 s1, s0  }
0xbd: {  	s0 =	sadd.s32 $0x8F2B, s0  }
0xbe: {  	[sflag:s0] =	ssyncadd.remote.s32 $0x1  }
0xbf: {  	_ =	sfence.sel $0xFFFF  }
0xc0: {  	[dreg:$0x0] =	wrdreg $0xFFFFFFFF;
	(pc) =	sbr.abs _section_cstart, $3  }
0xc1: {  	[dreg:$0x1] =	wrdreg $0xFFFFFFFF  }
0xc2: {  	_ =	task.clear_ibuf [dreg:s7], $0x2FFFF;
	_ =	strace $0x9FFFFFFF  }
0xc3: {  	(tm) =	ssettm $0x7FFFFFFF  }
tec
execute0_lowered:
.L_overlay_start_1:
0x0: {  	(tag) =	ssettag $0x1  }
0x1: {  	s7 =	rddreg [dreg:$0x0]  }
0x2: {  	s0 =	srdreg.scid;
	s2 =	rddreg [dreg:$0x1]  }
0x3: {  	s3 =	rddreg [dreg:$0x2];
	s4 =	simm.s32 $0x0;
	s6 =	sand.u32 $0x1, s0  }
0x4: {  	s13 =	simm.s32 $0x80;
	s0 =	stileid.u32;
	s8 =	smul.u32 $0x140000, s6  }
0x5: {  	s14 =	simm.s32 $0x0;
	[smem:$0x7FF] =	sst s4;
	s9 =	smul.u32 $0x14000, s0  }
0x6: {  	s1 =	sshll.u32 s6, $0x4;
	s30 =	smul.u32 $0x50000, s0;
	s6 =	ssub.s32 $0x2, s6  }
0x7: {  	s11 =	sshll.u32 s0, $0x6;
	s1 =	sor.u32 s0, s1;
	s31 =	sshrl.u32 s6, $0x1  }
0x8: {  	s11 =	sor.u32 $0x1C01, s11;
	s5 =	smul.u32 $0x280, s1;
	s1 =	rddreg [dreg:$0x3]  }
0x9: {  	_ =	strace $0x80000047;
	s8 =	sadd.s32 s9, s8;
	s9 =	sshrl.u32 s30, $0x2  }
0xa: {  	s8 =	sshrl.u32 s8, $0x3;
	s12 =	sadd.s32 s9, s3;
	s9 =	simm.s32 $0x1  }
0xb: {  	s10 =	sadd.s32 s5, s7;
	s5 =	sadd.s32 $0xC400, s7;
	s7 =	sadd.s32 s8, s7  }
0xc: {  	s8 =	ssub.s32 s6, s31;
	s12 =	sshrl.u32 s12, $0x3;
	s6 =	sadd.s32 $0x7400, s10  }
0xd: {  	s7 =	sadd.s32 $0xEC00, s7;
	s8 =	smax.u32 s8, $0x1;
	s10 =	simm.s32 $0x1400  }
.LBB2_1:
0xe: {  	[tilespmem:s4], [sflag:$0x1] =	stream.linear.gather [hbm4b:s6+s4], $0x1400, $0x38;
	[tilespmem:$0x19400] =	vst v63  }
0xf: {  	_ =	swait.ge [sflag:s9], $0x1400  }
0x10: {  	[sflag:s9] =	ssyncset.done $0x0  }
0x11: {  	[sflag:s9] =	ssyncadd.s32 $0xFFFFEC00  }
0x12: {  	[tilespmem:s10], [sflag:$0x1] =	stream.linear.gather [hbm4b:s2+s4], $0x4000, $0x38;
	[tilespmem:$0x19400] =	vst v63  }
0x13: {  	_ =	swait.ge [sflag:s9], $0x4000  }
0x14: {  	[sflag:s9] =	ssyncset.done $0x0  }
0x15: {  	[sflag:s9] =	ssyncadd.s32 $0xFFFFC000  }
0x16: {  	[spmem:s12], [sflag:s11] =	dma.local [hbm:s5], $0x2800  }
0x17: {  	_ =	swait.ge [sflag:s9], $0x2800  }
0x18: {  	[sflag:s9] =	ssyncset.done $0x0  }
0x19: {  	[sflag:s9] =	ssyncadd.s32 $0xFFFFD800  }
0x1a: {  	s15 =	simm.s32 $0x0;
	[bflag:$0x0] =	sbarrier.arrive $0xFFFF  }
0x1b: {  	[spmem:s3] =	stream.indirect.scatter.add.f32 [tilespmem:s10], [sflag:$0x1], $0x80, s15, s13, $0xb8;
	[tilespmem:$0x19400] =	vst v63  }
0x1c: {  	_ =	swait.ge [sflag:s9], $0x4000  }
0x1d: {  	s15 =	simm.s32 $0x200;
	[sflag:s9] =	ssyncset.done $0x0  }
.LBB2_2:
0x1e: {  	s16 =	sshra.s32 s15, $0x2;
	[sflag:s9] =	ssyncadd.s32 $0xFFFFC000;
	p0 =	sne.s32 s15, $0x4E00  }
0x1f: {  	[spmem:s3] =	stream.indirect.scatter.add.f32 [tilespmem:s10], [sflag:$0x1], $0x80, s16, s13, $0xb8;
	[tilespmem:$0x19400] =	vst v63  }
.Ltmp0:
0x20: {  	_ = 	snop;
	(pc) =	sbr.rel @p0 .LBB2_2-.Ltmp0, $4  }
0x21: {  	_ = 	snop  }
0x22: {  	s15 =	sadd.s32 $0x200, s15  }
0x23: {  	_ =	swait.ge [sflag:s9], $0x4000  }
0x24: {  	[sflag:s9] =	ssyncset.done $0x0  }
0x25: {  	s14 =	sadd.s32 $0x1, s14  }
0x26: {  	[sflag:s9] =	ssyncadd.s32 $0xFFFFC000;
	p0 =	sne.s32 s14, s8  }
.Ltmp1:
0x27: {  	[bflag:$0x0] =	sbarrier.arrive $0xFFFF;
	(pc) =	sbr.rel @p0 .LBB2_1-.Ltmp1, $4  }
0x28: {  	[hbm:s7], [sflag:s11] =	dma.local [spmem:s12], $0x2800  }
0x29: {  	_ =	swait.ge [sflag:s9], $0x2800  }
0x2a: {  	[sflag:s9] =	ssyncset.done $0x0  }
0x2b: {  	[sflag:s9] =	ssyncadd.s32 $0xFFFFD800  }
0x2c: {  	_ =	sfence.sel $0x180000  }
0x2d: {  	[bflag:$0x0] =	sbarrier.arrive $0xFFFF  }
0x2e: {  	p0 =	sne.s32 s0, $0x0;
	_ =	strace $0x90000047  }
0x2f: {  	s0 =	sadd.s32 @!p0 $0x100000, s1;
	[bflag:$0x2] =	sbarrier.arrive $0xFFFF  }
0x30: {  	[sflag:s0] =	ssyncadd.tile.s32 @!p0 $0x1;
	_ =	shalt  }
.Lfunc_end2:
_tile_overlayer_lowered:
.L_overlay_start_2:
0x31: {  	(tag) =	ssettag $0x2  }
0x32: {  	s0 =	rddreg [dreg:$0x0];
	s2 =	stileid.u32  }
0x33: {  	s1 =	rddreg [dreg:$0x1];
	p0 =	sne.s32 s2, $0x0  }
0x34: {  	s3 =	rddreg [dreg:$0x2];
	[bflag:$0x3] =	sbarrier.arrive $0xFFFF;
	s2 =	simm.s32 @!p0 $0x1C01  }
0x35: {  	[timem:s3], [sflag:s2] =	dma.local @!p0 [hbm:s0], s1  }
0x36: {  	s0 =	simm.s32 @!p0 $0x1  }
0x37: {  	_ =	swait.ge @!p0 [sflag:s0], s1  }
0x38: {  	s1 =	ssub.s32 @!p0 $0x0, s1;
	[sflag:s0] =	ssyncset.done @!p0 $0x0  }
0x39: {  	[sflag:s0] =	ssyncadd.s32 @!p0 s1  }
0x3a: {  	[bflag:$0x3] =	sbarrier.arrive $0xFFFF  }
0x3b: {  	_ =	shalt  }

// kernel: kernel.9.cloned.1.call-start
scs
__scs_entry_jumppad:
0x0: {  	(pc) =	sbr.rel $0x88, $3  }
0x1: {  	(tag) =	ssettag $0x0;
	lr =	simm.s32 $0x1  }
0x2: {  	[smem:$0x3F9D] =	sst lr;
	_ =	strace $0xD0000000  }
0x3: {  	_ = 	snop  }
0x4: {  	_ = 	snop  }
0x5: {  	_ = 	snop  }
0x6: {  	_ = 	snop  }
0x7: {  	_ = 	snop  }
__scs_overlays_trampoline_lowered:
0x8: {  	[smem:$0x3FAC] =	sst s0  }
0x9: {  	[smem:$0x3FAD] =	sst s1  }
0xa: {  	[smem:$0x3FAE] =	sst s2  }
0xb: {  	[smem:$0x3FAF] =	sst s3  }
0xc: {  	[smem:$0x3FB0] =	sst s4  }
0xd: {  	[smem:$0x3FB1] =	sst s5  }
0xe: {  	[smem:$0x3FB2] =	sst s6  }
0xf: {  	[smem:$0x3FB3] =	sst s7  }
0x10: {  	[smem:$0x3FB4] =	sst s8  }
0x11: {  	[smem:$0x3FB5] =	sst s9;
	s0 =	simm.s32 @!p0 $0x0  }
0x12: {  	s1 =	sld [smem:$0x3F9B];
	s0 =	simm.s32 @p0 $0x1  }
0x13: {  	[smem:$0x3FB6] =	sst s0;
	s0 =	simm.s32 @!p1 $0x0  }
0x14: {  	s2 =	sld [smem:$0x3F9A];
	s0 =	simm.s32 @p1 $0x1  }
0x15: {  	[smem:$0x3FB7] =	sst s0;
	s0 =	simm.s32 @!p2 $0x0  }
0x16: {  	s3 =	sld [smem:$0x3FDB];
	s0 =	simm.s32 @p2 $0x1  }
0x17: {  	s4 =	simm.s32 $0x1BF5;
	[smem:$0x3FB9] =	sst s0  }
0x18: {  	s0 =	sld [smem:$0x3F9C];
	_ =	swait.ge [sflag:s4], $0x0  }
0x19: {  	s7 =	sld [smem:$0x3F9D]  }
0x1a: {  	s8 =	sadd.s32 $0xFFFFE003, lr  }
0x1b: {  	s9 =	sadd.s32 $0xFFFFFEF7, lr;
	s5 =	simm.s32 $0xFFFFFFFF;
	p2 =	slt.u32 s8, $0xFFFFF086  }
0x1c: {  	p1 =	slt.u32 s9, $0xF7A;
	s5 =	simm.s32 @!p2 $0x0  }
0x1d: {  	s5 =	simm.s32 @p1 $0x1;
	p0 =	seq.s32 s7, s2  }
0x1e: {  	s7 =	smul.u32 @!p0 $0xF7A, s2;
	p2 =	seq.s32 @!p0 s5, $0x0  }
0x1f: {  	s9 =	smul.u32 $0xF7A, s1;
	s8 =	simm.s32 @!p0 $0x1BF5;
	p2 =	por !p2, p0  }
0x20: {  	[sflag:s8] =	ssyncset.s32 @!p0 $0xFFFFF086;
	s6 =	sadd.s32 @!p0 s3, s7;
	s7 =	simm.s32 @!p0 $0x108  }
0x21: {  	s3 =	sadd.s32 s3, s9;
	s6 =	sadd.s32 @!p0 $0x88, s6;
	s7 =	simm.s32 @p2 $0x1082  }
0x22: {  	[simem:s7], [sflag:s8] =	dma.local @!p0 [hbm:s6], $0xF7A  }
0x23: {  	s9 =	sor.u32 $0xD0000000, s2;
	s6 =	simm.s32 $0x108;
	_ =	swait.ge @!p0 [sflag:s8], $0x0  }
0x24: {  	s3 =	sadd.s32 $0x88, s3;
	s6 =	simm.s32 @!p1 $0x1082;
	[sflag:s4] =	ssyncset.s32 $0xFFFFF086  }
0x25: {  	[simem:s6], [sflag:s4] =	dma.local [hbm:s3], $0xF7A  }
0x26: {  	[smem:$0x3F9D] =	sst s1;
	(tag) =	ssettag s2;
	_ =	strace s9  }
0x27: {  	s1 =	sld [smem:$0x3FAD]  }
0x28: {  	s2 =	sld [smem:$0x3FAE]  }
0x29: {  	s4 =	sld [smem:$0x3FB0]  }
0x2a: {  	p0 =	seq.s32 s5, $0x0;
	s5 =	sld [smem:$0x3FB1]  }
0x2b: {  	s6 =	sld [smem:$0x3FB2]  }
0x2c: {  	s7 =	sld [smem:$0x3FB3]  }
0x2d: {  	s3 =	simm.s32 $0x108;
	s8 =	sld [smem:$0x3FB4]  }
0x2e: {  	s3 =	simm.s32 @!p0 $0x1082;
	s9 =	sld [smem:$0x3FB5]  }
0x2f: {  	lr =	sadd.s32 s0, s3;
	s0 =	sld [smem:$0x3FAC]  }
0x30: {  	s3 =	sld [smem:$0x3FAF]  }
0x31: {  	[smem:$0x3FB8] =	sst s10  }
0x32: {  	s10 =	sld [smem:$0x3FB6];
	_ =	sdelay $0x3  }
0x33: {  	p0 =	seq.s32 s10, $0x1;
	s10 =	sld [smem:$0x3FB8];
	_ =	sdelay $0x3  }
0x34: {  	[smem:$0x3FB8] =	sst s10  }
0x35: {  	s10 =	sld [smem:$0x3FB7];
	_ =	sdelay $0x3  }
0x36: {  	p1 =	seq.s32 s10, $0x1;
	s10 =	sld [smem:$0x3FB8];
	_ =	sdelay $0x3  }
0x37: {  	[smem:$0x3FB8] =	sst s10  }
0x38: {  	s10 =	sld [smem:$0x3FB9]  }
0x39: {  	_ = 	snop;
	(pc) =	sbr.ind lr, $3  }
0x3a: {  	_ = 	snop  }
0x3b: {  	_ = 	snop  }
0x3c: {  	p2 =	seq.s32 s10, $0x1;
	s10 =	sld [smem:$0x3FB8]  }
0x3d: {  	_ =	shalt  }
0x3e: {  	_ =	shalt  }
0x3f: {  	_ =	shalt  }
0x40: {  	_ =	shalt  }
0x41: {  	_ =	shalt  }
0x42: {  	_ =	shalt  }
0x43: {  	_ =	shalt  }
0x44: {  	_ =	shalt  }
0x45: {  	_ =	shalt  }
0x46: {  	_ =	shalt  }
0x47: {  	_ =	shalt  }
0x48: {  	_ =	shalt  }
0x49: {  	_ =	shalt  }
0x4a: {  	_ =	shalt  }
0x4b: {  	_ =	shalt  }
0x4c: {  	_ =	shalt  }
0x4d: {  	_ =	shalt  }
0x4e: {  	_ =	shalt  }
0x4f: {  	_ =	shalt  }
0x50: {  	_ =	shalt  }
0x51: {  	_ =	shalt  }
0x52: {  	_ =	shalt  }
0x53: {  	_ =	shalt  }
0x54: {  	_ =	shalt  }
0x55: {  	_ =	shalt  }
0x56: {  	_ =	shalt  }
0x57: {  	_ =	shalt  }
0x58: {  	_ =	shalt  }
0x59: {  	_ =	shalt  }
0x5a: {  	_ =	shalt  }
0x5b: {  	_ =	shalt  }
0x5c: {  	_ =	shalt  }
0x5d: {  	_ =	shalt  }
0x5e: {  	_ =	shalt  }
0x5f: {  	_ =	shalt  }
0x60: {  	_ =	shalt  }
0x61: {  	_ =	shalt  }
0x62: {  	_ =	shalt  }
0x63: {  	_ =	shalt  }
0x64: {  	_ =	shalt  }
0x65: {  	_ =	shalt  }
0x66: {  	_ =	shalt  }
0x67: {  	_ =	shalt  }
0x68: {  	_ =	shalt  }
0x69: {  	_ =	shalt  }
0x6a: {  	_ =	shalt  }
0x6b: {  	_ =	shalt  }
0x6c: {  	_ =	shalt  }
0x6d: {  	_ =	shalt  }
0x6e: {  	_ =	shalt  }
0x6f: {  	_ =	shalt  }
0x70: {  	_ =	shalt  }
0x71: {  	_ =	shalt  }
0x72: {  	_ =	shalt  }
0x73: {  	_ =	shalt  }
0x74: {  	_ =	shalt  }
0x75: {  	_ =	shalt  }
0x76: {  	_ =	shalt  }
0x77: {  	_ =	shalt  }
0x78: {  	_ =	shalt  }
0x79: {  	_ =	shalt  }
0x7a: {  	_ =	shalt  }
0x7b: {  	_ =	shalt  }
0x7c: {  	_ =	shalt  }
0x7d: {  	_ =	shalt  }
0x7e: {  	_ =	shalt  }
0x7f: {  	_ =	shalt  }
0x80: {  	_ =	shalt  }
0x81: {  	_ =	shalt  }
0x82: {  	_ =	shalt  }
0x83: {  	_ =	shalt  }
0x84: {  	_ =	shalt  }
0x85: {  	_ =	shalt  }
0x86: {  	_ =	shalt  }
0x87: {  	_ =	shalt  }
.Lfunc_end0:
.L_simem_size_0:
called_computation.1_lowered:
.L_overlay_start_0:
0x88: {  	s2 =	sld [smem:$0x3FD9]  }
0x89: {  	s3 =	sld [smem:$0x3FFE];
	_ =	sdelay $0x1  }
0x8a: {  	s1 =	srdreg.scid  }
0x8b: {  	s0 =	sand.u32 $0x1, s1  }
0x8c: {  	s17 =	sshll.u32 s0, $0xA;
	s2 =	sadd.s32 s3, s2  }
0x8d: {  	s2 =	sadd.s32 s2, s17  }
0x8e: {  	[smem:$0x3FC4] =	sst s2  }
0x8f: {  	_ = 	snop  }
0x90: {  	s2 =	sld [smem:$0x3FD0];
	(tm) =	ssettm $0x1  }
0x91: {  	s18 =	sld [smem:$0x3FFB];
	_ =	sdelay $0x3  }
0x92: {  	_ =	strace s18  }
0x93: {  	s3 =	sld [smem:$0x3FFC];
	_ =	sdelay $0x3  }
0x94: {  	_ =	strace s3  }
0x95: {  	s3 =	sld [smem:$0x3FFD];
	_ =	sdelay $0x3  }
0x96: {  	_ =	strace s3  }
0x97: {  	_ =	strace $0x8FFFFFFF  }
0x98: {  	s19 =	sld [smem:$0x3FDB];
	_ =	sdelay $0x1  }
0x99: {  	s4 =	simm.s32 $_scs_section_size  }
0x9a: {  	s5 =	simm.s32 $_size__tile_overlayer_lowered;
	s6 =	simm.s32 $_tile_overlayer_lowered  }
0x9b: {  	s22 =	simm.s32 $0x1BFF;
	s21 =	sshll.u32 s6, $0x1;
	s3 =	sadd.s32 s4, s19  }
0x9c: {  	s7 =	simm.s32 $0x0;
	s20 =	sshll.u32 s5, $0x1;
	s5 =	sadd.s32 s21, s3  }
0x9d: {  	[timem:s7], [sflag:s22] =	dma.local [hbm:s5], s20  }
0x9e: {  	_ =	swait.ge [sflag:s22], s20  }
0x9f: {  	s4 =	ssub.s32 $0x0, s20;
	[sflag:s22] =	ssyncset.done $0x0  }
0xa0: {  	[sflag:s22] =	ssyncadd.s32 s4;
	_ =	sdelay $0x1  }
0xa1: {  	s23 =	simm.s32 $0x1B8B  }
0xa2: {  	_ =	swait.ge [sflag:s23], $0x1  }
0xa3: {  	[sflag:s23] =	ssyncset.done $0x0  }
0xa4: {  	s25 =	simm.s32 $0x1B8E;
	s24 =	sld [smem:$0x3FFE];
	[sflag:s23] =	ssyncadd.s32 $0xFFFFFFFF  }
0xa5: {  	s26 =	simm.s32 $execute0_lowered;
	[smem:$0x3FD2] =	sst s25  }
0xa6: {  	s5 =	sshll.u32 s26, $0x1;
	_ =	strace $0x80000049;
	[dreg:$0x1] =	wrdreg $0xFFFFFFFF  }
0xa7: {  	s28 =	simm.s32 $_size_execute0_lowered;
	s3 =	sadd.s32 s3, s5;
	[dreg:$0x0] =	wrdreg $0x0  }
0xa8: {  	s5 =	sshll.u32 s28, $0x1;
	[dreg:$0x2] =	wrdreg s3  }
0xa9: {  	[dreg:$0x3] =	wrdreg s5  }
0xaa: {  	[dreg:$0x4] =	wrdreg $0xC0  }
0xab: {  	_ =	task [dreg:s7], $0x5FFFF  }
0xac: {  	[dreg:$0x1] =	wrdreg $0xFFFFFFFF  }
0xad: {  	[dreg:$0x0] =	wrdreg $0x60  }
0xae: {  	[dreg:$0x2] =	wrdreg s24  }
0xaf: {  	[dreg:$0x3] =	wrdreg s2  }
0xb0: {  	[dreg:$0x4] =	wrdreg $0xA8000  }
0xb1: {  	[dreg:$0x5] =	wrdreg $0x9  }
0xb2: {  	_ =	task.clear_ibuf [dreg:s7], $0x6FFFF;
	_ =	strace $0x90000049  }
0xb3: {  	s29 =	simm.s32 $0x9;
	_ =	strace $0x8000004B  }
0xb4: {  	_ =	swait.ge [sflag:s29], $0x1  }
0xb5: {  	[sflag:s29] =	ssyncadd.s32 $0xFFFFFFFF  }
0xb6: {  	_ =	strace $0x9000004B  }
0xb7: {  	_ =	sfence  }
0xb8: {  	s30 =	sld [smem:$0x0];
	_ =	sdelay $0x2  }
0xb9: {  	s31 =	sshll.u32 s1, $0xD;
	s1 =	sshrl.u32 s1, $0x2  }
0xba: {  	s3 =	sand.u32 $0x4000, s31;
	s1 =	sadd.s32 s1, s30  }
0xbb: {  	s0 =	sor.u32 s3, s0;
	s1 =	sshll.u32 s1, $0x11  }
0xbc: {  	s0 =	sor.u32 s1, s0  }
0xbd: {  	s0 =	sadd.s32 $0x8F2B, s0  }
0xbe: {  	[sflag:s0] =	ssyncadd.remote.s32 $0x1  }
0xbf: {  	_ =	sfence.sel $0xFFFF  }
0xc0: {  	[dreg:$0x0] =	wrdreg $0xFFFFFFFF;
	(pc) =	sbr.abs _section_cstart, $3  }
0xc1: {  	[dreg:$0x1] =	wrdreg $0xFFFFFFFF  }
0xc2: {  	_ =	task.clear_ibuf [dreg:s7], $0x2FFFF;
	_ =	strace $0x9FFFFFFF  }
0xc3: {  	(tm) =	ssettm $0x7FFFFFFF  }
tec
execute0_lowered:
.L_overlay_start_1:
0x0: {  	(tag) =	ssettag $0x1  }
0x1: {  	s8 =	rddreg [dreg:$0x0]  }
0x2: {  	s1 =	rddreg [dreg:$0x1]  }
0x3: {  	s2 =	rddreg [dreg:$0x2]  }
0x4: {  	s3 =	simm.s32 $0x0;
	s7 =	srdreg.scid;
	s0 =	stileid.u32  }
0x5: {  	s18 =	simm.s32 $0x1400;
	s19 =	simm.s32 $0x80;
	s20 =	simm.s32 $0x2800  }
0x6: {  	s21 =	simm.s32 $0x6800;
	s22 =	simm.s32 $0x1;
	s23 =	simm.s32 $0x2  }
0x7: {  	s24 =	simm.s32 $0x1380;
	s25 =	simm.s32 $0x2700;
	s26 =	simm.s32 $0x2780  }
0x8: {  	s28 =	simm.s32 $0x0;
	[smem:$0x7FF] =	sst s3;
	s13 =	sadd.s32 $0x2400, s8  }
0x9: {  	s14 =	sadd.s32 $0x7400, s8;
	s5 =	sadd.s32 $0x5EC00, s8;
	s6 =	sadd.s32 $0x85E00, s8  }
0xa: {  	s11 =	sand.u32 $0x1, s7;
	s9 =	smul.u32 $0x50000, s0;
	s7 =	sadd.s32 $0xC400, s8  }
0xb: {  	s8 =	sadd.s32 $0xAD000, s8;
	s30 =	sshll.u32 s0, $0x6;
	_ =	strace $0x8000004A  }
0xc: {  	s10 =	ssub.s32 $0x2, s11;
	s15 =	sshrl.u32 s9, $0x2;
	s9 =	smul.u32 $0x2800, s0  }
.Ltmp0:
0xd: {  	p0 =	seq.s32 s11, $0x1;
	s12 =	sshrl.u32 s10, $0x1;
	(pc) =	sbr.rel .LBB2_1-.Ltmp0, $4  }
0xe: {  	s16 =	ssub.s32 s10, s12;
	s17 =	sadd.s32 s15, s2;
	s31 =	sshrl.u32 s9, $0x3  }
0xf: {  	s10 =	sor.u32 $0x1C03, s30;
	s11 =	sadd.s32 s13, s31;
	s15 =	sadd.s32 $0x280, s31  }
0x10: {  	s12 =	sadd.s32 s14, s31;
	s13 =	sadd.s32 s13, s15;
	s14 =	sadd.s32 s14, s15  }
0x11: {  	s15 =	smax.u32 s16, $0x1;
	s16 =	sshrl.u32 s17, $0x3;
	s17 =	simm.s32 $0x3  }
.LBB2_11:
0x12: {  	s0 =	sadd.s32 $0x80, s29;
	[sflag:s17] =	ssyncadd.s32 $0xFFFFC000  }
0x13: {  	[tilespmem:s21], [sflag:$0x2] =	stream.indirect.gather [hbm4b:s6+s19], $0x80, s0, s19, $0xb8;
	[tilespmem:$0x1E800] =	vst v63  }
0x14: {  	_ =	swait.ge [sflag:s22], $0x4000  }
0x15: {  	[sflag:s22] =	ssyncset.done $0x0  }
0x16: {  	s4 =	sadd.s32 $0x1400, s29;
	[sflag:s22] =	ssyncadd.s32 $0xFFFFC000  }
0x17: {  	[spmem:s2] =	stream.indirect.scatter.add.f32 [tilespmem:s20], [sflag:$0x3], $0x80, s4, s19, $0xb8;
	[tilespmem:$0x1E800] =	vst v63  }
0x18: {  	_ =	swait.ge [sflag:s17], $0x4000  }
0x19: {  	[sflag:s17] =	ssyncset.done $0x0  }
0x1a: {  	s30 =	sadd.s32 $0x100, s29;
	[sflag:s17] =	ssyncadd.s32 $0xFFFFC000  }
0x1b: {  	[tilespmem:s20], [sflag:$0x1] =	stream.indirect.gather [hbm4b:s6+s19], $0x80, s30, s19, $0xb8;
	[tilespmem:$0x1E800] =	vst v63  }
0x1c: {  	_ =	swait.ge [sflag:s23], $0x4000  }
0x1d: {  	[sflag:s23] =	ssyncset.done $0x0  }
0x1e: {  	s31 =	sadd.s32 $0x1480, s29;
	[sflag:s23] =	ssyncadd.s32 $0xFFFFC000  }
0x1f: {  	[spmem:s2] =	stream.indirect.scatter.add.f32 [tilespmem:s21], [sflag:$0x3], $0x80, s31, s19, $0xb8;
	[tilespmem:$0x1E800] =	vst v63  }
0x20: {  	_ =	swait.ge [sflag:s17], $0x4000  }
0x21: {  	[sflag:s17] =	ssyncset.done $0x0  }
0x22: {  	s29 =	smov.u32 s8;
	[sflag:s17] =	ssyncadd.s32 $0xFFFFC000  }
0x23: {  	[tilespmem:s21], [sflag:$0x2] =	stream.indirect.gather [hbm4b:s6+s19], $0x80, s24, s19, $0xb8;
	[tilespmem:$0x1E800] =	vst v63  }
.LBB2_12:
0x24: {  	_ =	swait.ge [sflag:s22], $0x4000  }
0x25: {  	[sflag:s22] =	ssyncset.done $0x0  }
0x26: {  	[sflag:s22] =	ssyncadd.s32 $0xFFFFC000  }
0x27: {  	[spmem:s2] =	stream.indirect.scatter.add.f32 [tilespmem:s20], [sflag:$0x3], $0x80, s25, s19, $0xb8;
	[tilespmem:$0x1E800] =	vst v63  }
0x28: {  	_ =	swait.ge [sflag:s17], $0x4000  }
0x29: {  	[sflag:s17] =	ssyncset.done $0x0  }
0x2a: {  	[sflag:s17] =	ssyncadd.s32 $0xFFFFC000  }
0x2b: {  	_ =	swait.ge [sflag:s23], $0x4000  }
0x2c: {  	[sflag:s23] =	ssyncset.done $0x0  }
0x2d: {  	[sflag:s23] =	ssyncadd.s32 $0xFFFFC000  }
0x2e: {  	[spmem:s2] =	stream.indirect.scatter.add.f32 [tilespmem:s21], [sflag:$0x3], $0x80, s26, s19, $0xb8;
	[tilespmem:$0x1E800] =	vst v63  }
0x2f: {  	_ =	swait.ge [sflag:s17], $0x4000  }
0x30: {  	s28 =	sadd.s32 $0x1, s28;
	[sflag:s17] =	ssyncset.done $0x0  }
0x31: {  	p1 =	sne.s32 s28, s15;
	[sflag:s17] =	ssyncadd.s32 $0xFFFFC000  }
.Ltmp1:
0x32: {  	s0 =	sadd.s32 s29, s9;
	[bflag:$0x0] =	sbarrier.arrive $0xFFFF;
	(pc) =	sbr.rel @!p1 .LBB2_13-.Ltmp1, $4  }
0x33: {  	[hbm:s0], [sflag:s10] =	dma.local [spmem:s16], $0x2800  }
0x34: {  	_ =	swait.ge [sflag:s17], $0x2800  }
0x35: {  	[sflag:s17] =	ssyncset.done $0x0  }
0x36: {  	[sflag:s17] =	ssyncadd.s32 $0xFFFFD800  }
.LBB2_1:
0x37: {  	[spmem:s16], [sflag:s10] =	dma.local [hbm:s7], $0x2800  }
0x38: {  	_ =	swait.ge [sflag:s17], $0x2800  }
0x39: {  	[sflag:s17] =	ssyncset.done $0x0  }
0x3a: {  	[sflag:s17] =	ssyncadd.s32 $0xFFFFD800  }
0x3b: {  	[bflag:$0x0] =	sbarrier.arrive $0xFFFF  }
0x3c: {  	[tilespmem:s3], [sflag:$0x3] =	stream.linear.gather [hbm4b:s11+s3], $0x1400, $0x38;
	[tilespmem:$0x1E800] =	vst v63  }
0x3d: {  	_ =	swait.ge [sflag:s17], $0x1400  }
0x3e: {  	[sflag:s17] =	ssyncset.done $0x0  }
.Ltmp2:
0x3f: {  	[sflag:s17] =	ssyncadd.s32 $0xFFFFEC00;
	(pc) =	sbr.rel @!p0 .LBB2_2-.Ltmp2, $4  }
0x40: {  	[tilespmem:s18], [sflag:$0x3] =	stream.linear.gather [hbm4b:s12+s3], $0x1400, $0x38;
	[tilespmem:$0x1E800] =	vst v63  }
0x41: {  	_ =	swait.ge [sflag:s17], $0x1400  }
0x42: {  	[sflag:s17] =	ssyncset.done $0x0  }
0x43: {  	[sflag:s17] =	ssyncadd.s32 $0xFFFFEC00  }
0x44: {  	s0 =	simm.s32 $0x0  }
0x45: {  	[tilespmem:s20], [sflag:$0x1] =	stream.indirect.gather [hbm4b:s6+s19], $0x80, s0, s19, $0xb8;
	[tilespmem:$0x1E800] =	vst v63  }
0x46: {  	s4 =	simm.s32 $0x80  }
0x47: {  	[tilespmem:s21], [sflag:$0x2] =	stream.indirect.gather [hbm4b:s6+s19], $0x80, s4, s19, $0xb8;
	[tilespmem:$0x1E800] =	vst v63  }
0x48: {  	_ =	swait.ge [sflag:s22], $0x4000  }
0x49: {  	[sflag:s22] =	ssyncset.done $0x0  }
0x4a: {  	s31 =	simm.s32 $0x1400;
	[sflag:s22] =	ssyncadd.s32 $0xFFFFC000  }
0x4b: {  	[spmem:s2] =	stream.indirect.scatter.add.f32 [tilespmem:s20], [sflag:$0x3], $0x80, s31, s19, $0xb8;
	[tilespmem:$0x1E800] =	vst v63  }
0x4c: {  	_ =	swait.ge [sflag:s17], $0x4000  }
0x4d: {  	[sflag:s17] =	ssyncset.done $0x0  }
0x4e: {  	s4 =	simm.s32 $0x100;
	[sflag:s17] =	ssyncadd.s32 $0xFFFFC000  }
0x4f: {  	[tilespmem:s20], [sflag:$0x1] =	stream.indirect.gather [hbm4b:s6+s19], $0x80, s4, s19, $0xb8;
	[tilespmem:$0x1E800] =	vst v63  }
0x50: {  	_ =	swait.ge [sflag:s23], $0x4000  }
0x51: {  	[sflag:s23] =	ssyncset.done $0x0  }
0x52: {  	s31 =	simm.s32 $0x1480;
	[sflag:s23] =	ssyncadd.s32 $0xFFFFC000  }
0x53: {  	[spmem:s2] =	stream.indirect.scatter.add.f32 [tilespmem:s21], [sflag:$0x3], $0x80, s31, s19, $0xb8;
	[tilespmem:$0x1E800] =	vst v63  }
0x54: {  	_ =	swait.ge [sflag:s17], $0x4000  }
0x55: {  	s30 =	simm.s32 $0x800;
	s29 =	simm.s32 $0x100;
	[sflag:s17] =	ssyncset.done $0x0  }
.LBB2_8:
0x56: {  	s0 =	sadd.s32 $0x80, s29  }
0x57: {  	[sflag:s17] =	ssyncadd.s32 $0xFFFFC000;
	s4 =	smov.u32 s30;
	s31 =	sadd.s32 $0x400, s30  }
0x58: {  	[tilespmem:s21], [sflag:$0x2] =	stream.indirect.gather [hbm4b:s6+s19], $0x80, s0, s19, $0xb8;
	[tilespmem:$0x1E800] =	vst v63  }
0x59: {  	p1 =	sne.s32 s30, $0x4800;
	_ =	swait.ge [sflag:s22], $0x4000  }
0x5a: {  	[sflag:s22] =	ssyncset.done $0x0  }
0x5b: {  	s0 =	sadd.s32 $0x1400, s29;
	[sflag:s22] =	ssyncadd.s32 $0xFFFFC000  }
0x5c: {  	[spmem:s2] =	stream.indirect.scatter.add.f32 [tilespmem:s20], [sflag:$0x3], $0x80, s0, s19, $0xb8;
	[tilespmem:$0x1E800] =	vst v63  }
0x5d: {  	_ =	swait.ge [sflag:s17], $0x4000  }
0x5e: {  	[sflag:s17] =	ssyncset.done $0x0  }
0x5f: {  	s0 =	sadd.s32 $0x100, s29;
	[sflag:s17] =	ssyncadd.s32 $0xFFFFC000  }
0x60: {  	[tilespmem:s20], [sflag:$0x1] =	stream.indirect.gather [hbm4b:s6+s19], $0x80, s0, s19, $0xb8;
	[tilespmem:$0x1E800] =	vst v63  }
0x61: {  	_ =	swait.ge [sflag:s23], $0x4000  }
.Ltmp3:
0x62: {  	[sflag:s23] =	ssyncset.done $0x0;
	(pc) =	sbr.rel @p1 .LBB2_8-.Ltmp3, $4  }
0x63: {  	s0 =	sadd.s32 $0x1480, s29;
	[sflag:s23] =	ssyncadd.s32 $0xFFFFC000  }
0x64: {  	[spmem:s2] =	stream.indirect.scatter.add.f32 [tilespmem:s21], [sflag:$0x3], $0x80, s0, s19, $0xb8;
	[tilespmem:$0x1E800] =	vst v63  }
0x65: {  	_ =	swait.ge [sflag:s17], $0x4000  }
0x66: {  	s30 =	smov.u32 s31;
	s29 =	sshra.s32 s4, $0x2;
	[sflag:s17] =	ssyncset.done $0x0  }
0x67: {  	s0 =	sadd.s32 $0x80, s29;
	[sflag:s17] =	ssyncadd.s32 $0xFFFFC000  }
0x68: {  	[tilespmem:s21], [sflag:$0x2] =	stream.indirect.gather [hbm4b:s6+s19], $0x80, s0, s19, $0xb8;
	[tilespmem:$0x1E800] =	vst v63  }
0x69: {  	_ =	swait.ge [sflag:s22], $0x4000  }
0x6a: {  	[sflag:s22] =	ssyncset.done $0x0  }
0x6b: {  	s4 =	sadd.s32 $0x1400, s29;
	[sflag:s22] =	ssyncadd.s32 $0xFFFFC000  }
0x6c: {  	[spmem:s2] =	stream.indirect.scatter.add.f32 [tilespmem:s20], [sflag:$0x3], $0x80, s4, s19, $0xb8;
	[tilespmem:$0x1E800] =	vst v63  }
0x6d: {  	_ =	swait.ge [sflag:s17], $0x4000  }
0x6e: {  	[sflag:s17] =	ssyncset.done $0x0  }
0x6f: {  	s31 =	sadd.s32 $0x100, s29;
	[sflag:s17] =	ssyncadd.s32 $0xFFFFC000  }
0x70: {  	[tilespmem:s20], [sflag:$0x1] =	stream.indirect.gather [hbm4b:s6+s19], $0x80, s31, s19, $0xb8;
	[tilespmem:$0x1E800] =	vst v63  }
0x71: {  	_ =	swait.ge [sflag:s23], $0x4000  }
0x72: {  	[sflag:s23] =	ssyncset.done $0x0  }
0x73: {  	s4 =	sadd.s32 $0x1480, s29;
	[sflag:s23] =	ssyncadd.s32 $0xFFFFC000  }
0x74: {  	[spmem:s2] =	stream.indirect.scatter.add.f32 [tilespmem:s21], [sflag:$0x3], $0x80, s4, s19, $0xb8;
	[tilespmem:$0x1E800] =	vst v63  }
0x75: {  	_ =	swait.ge [sflag:s17], $0x4000  }
0x76: {  	[sflag:s17] =	ssyncset.done $0x0  }
0x77: {  	[sflag:s17] =	ssyncadd.s32 $0xFFFFC000  }
0x78: {  	[tilespmem:s21], [sflag:$0x2] =	stream.indirect.gather [hbm4b:s6+s19], $0x80, s24, s19, $0xb8;
	[tilespmem:$0x1E800] =	vst v63  }
0x79: {  	_ =	swait.ge [sflag:s22], $0x4000  }
0x7a: {  	[sflag:s22] =	ssyncset.done $0x0  }
0x7b: {  	[sflag:s22] =	ssyncadd.s32 $0xFFFFC000  }
0x7c: {  	[spmem:s2] =	stream.indirect.scatter.add.f32 [tilespmem:s20], [sflag:$0x3], $0x80, s25, s19, $0xb8;
	[tilespmem:$0x1E800] =	vst v63  }
0x7d: {  	_ =	swait.ge [sflag:s17], $0x4000  }
0x7e: {  	[sflag:s17] =	ssyncset.done $0x0  }
0x7f: {  	[sflag:s17] =	ssyncadd.s32 $0xFFFFC000  }
0x80: {  	_ =	swait.ge [sflag:s23], $0x4000  }
0x81: {  	[sflag:s23] =	ssyncset.done $0x0  }
0x82: {  	[sflag:s23] =	ssyncadd.s32 $0xFFFFC000  }
0x83: {  	[spmem:s2] =	stream.indirect.scatter.add.f32 [tilespmem:s21], [sflag:$0x3], $0x80, s26, s19, $0xb8;
	[tilespmem:$0x1E800] =	vst v63  }
0x84: {  	_ =	swait.ge [sflag:s17], $0x4000  }
0x85: {  	[sflag:s17] =	ssyncset.done $0x0  }
0x86: {  	s31 =	simm.s32 $0x0;
	[sflag:s17] =	ssyncadd.s32 $0xFFFFC000  }
0x87: {  	[tilespmem:s31], [sflag:$0x3] =	stream.linear.gather [hbm4b:s13+s31], $0x1400, $0x38;
	[tilespmem:$0x1E800] =	vst v63  }
0x88: {  	_ =	swait.ge [sflag:s17], $0x1400  }
0x89: {  	[sflag:s17] =	ssyncset.done $0x0  }
0x8a: {  	[sflag:s17] =	ssyncadd.s32 $0xFFFFEC00  }
0x8b: {  	[tilespmem:s18], [sflag:$0x3] =	stream.linear.gather [hbm4b:s14+s31], $0x1400, $0x38;
	[tilespmem:$0x1E800] =	vst v63  }
0x8c: {  	_ =	swait.ge [sflag:s17], $0x1400  }
0x8d: {  	[sflag:s17] =	ssyncset.done $0x0  }
0x8e: {  	[sflag:s17] =	ssyncadd.s32 $0xFFFFEC00  }
0x8f: {  	[tilespmem:s20], [sflag:$0x1] =	stream.indirect.gather [hbm4b:s6+s19], $0x80, s31, s19, $0xb8;
	[tilespmem:$0x1E800] =	vst v63  }
0x90: {  	s4 =	simm.s32 $0x80  }
0x91: {  	[tilespmem:s21], [sflag:$0x2] =	stream.indirect.gather [hbm4b:s6+s19], $0x80, s4, s19, $0xb8;
	[tilespmem:$0x1E800] =	vst v63  }
0x92: {  	_ =	swait.ge [sflag:s22], $0x4000  }
0x93: {  	[sflag:s22] =	ssyncset.done $0x0  }
0x94: {  	s31 =	simm.s32 $0x1400;
	[sflag:s22] =	ssyncadd.s32 $0xFFFFC000  }
0x95: {  	[spmem:s2] =	stream.indirect.scatter.add.f32 [tilespmem:s20], [sflag:$0x3], $0x80, s31, s19, $0xb8;
	[tilespmem:$0x1E800] =	vst v63  }
0x96: {  	_ =	swait.ge [sflag:s17], $0x4000  }
0x97: {  	[sflag:s17] =	ssyncset.done $0x0  }
0x98: {  	s4 =	simm.s32 $0x100;
	[sflag:s17] =	ssyncadd.s32 $0xFFFFC000  }
0x99: {  	[tilespmem:s20], [sflag:$0x1] =	stream.indirect.gather [hbm4b:s6+s19], $0x80, s4, s19, $0xb8;
	[tilespmem:$0x1E800] =	vst v63  }
0x9a: {  	_ =	swait.ge [sflag:s23], $0x4000  }
0x9b: {  	[sflag:s23] =	ssyncset.done $0x0  }
0x9c: {  	s31 =	simm.s32 $0x1480;
	[sflag:s23] =	ssyncadd.s32 $0xFFFFC000  }
0x9d: {  	[spmem:s2] =	stream.indirect.scatter.add.f32 [tilespmem:s21], [sflag:$0x3], $0x80, s31, s19, $0xb8;
	[tilespmem:$0x1E800] =	vst v63  }
0x9e: {  	_ =	swait.ge [sflag:s17], $0x4000  }
0x9f: {  	s30 =	simm.s32 $0x800;
	s29 =	simm.s32 $0x100;
	[sflag:s17] =	ssyncset.done $0x0  }
.LBB2_10:
0xa0: {  	s0 =	sadd.s32 $0x80, s29  }
0xa1: {  	[sflag:s17] =	ssyncadd.s32 $0xFFFFC000;
	s4 =	smov.u32 s30;
	s31 =	sadd.s32 $0x400, s30  }
0xa2: {  	[tilespmem:s21], [sflag:$0x2] =	stream.indirect.gather [hbm4b:s6+s19], $0x80, s0, s19, $0xb8;
	[tilespmem:$0x1E800] =	vst v63  }
0xa3: {  	p1 =	sne.s32 s30, $0x4800;
	_ =	swait.ge [sflag:s22], $0x4000  }
0xa4: {  	[sflag:s22] =	ssyncset.done $0x0  }
0xa5: {  	s0 =	sadd.s32 $0x1400, s29;
	[sflag:s22] =	ssyncadd.s32 $0xFFFFC000  }
0xa6: {  	[spmem:s2] =	stream.indirect.scatter.add.f32 [tilespmem:s20], [sflag:$0x3], $0x80, s0, s19, $0xb8;
	[tilespmem:$0x1E800] =	vst v63  }
0xa7: {  	_ =	swait.ge [sflag:s17], $0x4000  }
0xa8: {  	[sflag:s17] =	ssyncset.done $0x0  }
0xa9: {  	s0 =	sadd.s32 $0x100, s29;
	[sflag:s17] =	ssyncadd.s32 $0xFFFFC000  }
0xaa: {  	[tilespmem:s20], [sflag:$0x1] =	stream.indirect.gather [hbm4b:s6+s19], $0x80, s0, s19, $0xb8;
	[tilespmem:$0x1E800] =	vst v63  }
0xab: {  	_ =	swait.ge [sflag:s23], $0x4000  }
.Ltmp4:
0xac: {  	[sflag:s23] =	ssyncset.done $0x0;
	(pc) =	sbr.rel @p1 .LBB2_10-.Ltmp4, $4  }
0xad: {  	s0 =	sadd.s32 $0x1480, s29;
	[sflag:s23] =	ssyncadd.s32 $0xFFFFC000  }
0xae: {  	[spmem:s2] =	stream.indirect.scatter.add.f32 [tilespmem:s21], [sflag:$0x3], $0x80, s0, s19, $0xb8;
	[tilespmem:$0x1E800] =	vst v63  }
0xaf: {  	_ =	swait.ge [sflag:s17], $0x4000  }
0xb0: {  	s30 =	smov.u32 s31;
	s29 =	sshra.s32 s4, $0x2;
	[sflag:s17] =	ssyncset.done $0x0  }
.Ltmp5:
0xb1: {  	_ = 	snop;
	(pc) =	sbr.rel .LBB2_11-.Ltmp5, $1  }
0xb2: {  	_ =	sdelay $0x3  }
.LBB2_2:
0xb3: {  	s29 =	simm.s32 $0x0  }
0xb4: {  	[tilespmem:s20], [sflag:$0x1] =	stream.indirect.gather [hbm4b:s5+s19], $0x80, s29, s19, $0xb8;
	[tilespmem:$0x1E800] =	vst v63  }
0xb5: {  	s29 =	simm.s32 $0x80  }
0xb6: {  	[tilespmem:s21], [sflag:$0x2] =	stream.indirect.gather [hbm4b:s5+s19], $0x80, s29, s19, $0xb8;
	[tilespmem:$0x1E800] =	vst v63  }
0xb7: {  	_ =	swait.ge [sflag:s22], $0x4000  }
0xb8: {  	[sflag:s22] =	ssyncset.done $0x0  }
0xb9: {  	s29 =	simm.s32 $0x1400;
	[sflag:s22] =	ssyncadd.s32 $0xFFFFC000  }
0xba: {  	[spmem:s2] =	stream.indirect.scatter.add.f32 [tilespmem:s20], [sflag:$0x3], $0x80, s29, s19, $0xb8;
	[tilespmem:$0x1E800] =	vst v63  }
0xbb: {  	_ =	swait.ge [sflag:s17], $0x4000  }
0xbc: {  	[sflag:s17] =	ssyncset.done $0x0  }
0xbd: {  	s29 =	simm.s32 $0x100;
	[sflag:s17] =	ssyncadd.s32 $0xFFFFC000  }
0xbe: {  	[tilespmem:s20], [sflag:$0x1] =	stream.indirect.gather [hbm4b:s5+s19], $0x80, s29, s19, $0xb8;
	[tilespmem:$0x1E800] =	vst v63  }
0xbf: {  	_ =	swait.ge [sflag:s23], $0x4000  }
0xc0: {  	[sflag:s23] =	ssyncset.done $0x0  }
0xc1: {  	s29 =	simm.s32 $0x1480;
	[sflag:s23] =	ssyncadd.s32 $0xFFFFC000  }
0xc2: {  	[spmem:s2] =	stream.indirect.scatter.add.f32 [tilespmem:s21], [sflag:$0x3], $0x80, s29, s19, $0xb8;
	[tilespmem:$0x1E800] =	vst v63  }
0xc3: {  	_ =	swait.ge [sflag:s17], $0x4000  }
0xc4: {  	s30 =	simm.s32 $0x800;
	s29 =	simm.s32 $0x100;
	[sflag:s17] =	ssyncset.done $0x0  }
.LBB2_3:
0xc5: {  	s31 =	sadd.s32 $0x80, s29  }
0xc6: {  	[sflag:s17] =	ssyncadd.s32 $0xFFFFC000;
	s0 =	smov.u32 s30;
	s4 =	sadd.s32 $0x400, s30  }
0xc7: {  	[tilespmem:s21], [sflag:$0x2] =	stream.indirect.gather [hbm4b:s5+s19], $0x80, s31, s19, $0xb8;
	[tilespmem:$0x1E800] =	vst v63  }
0xc8: {  	p1 =	sne.s32 s30, $0x4800;
	_ =	swait.ge [sflag:s22], $0x4000  }
0xc9: {  	[sflag:s22] =	ssyncset.done $0x0  }
0xca: {  	s30 =	sadd.s32 $0x1400, s29;
	[sflag:s22] =	ssyncadd.s32 $0xFFFFC000  }
0xcb: {  	[spmem:s2] =	stream.indirect.scatter.add.f32 [tilespmem:s20], [sflag:$0x3], $0x80, s30, s19, $0xb8;
	[tilespmem:$0x1E800] =	vst v63  }
0xcc: {  	_ =	swait.ge [sflag:s17], $0x4000  }
0xcd: {  	[sflag:s17] =	ssyncset.done $0x0  }
0xce: {  	s30 =	sadd.s32 $0x100, s29;
	[sflag:s17] =	ssyncadd.s32 $0xFFFFC000  }
0xcf: {  	[tilespmem:s20], [sflag:$0x1] =	stream.indirect.gather [hbm4b:s5+s19], $0x80, s30, s19, $0xb8;
	[tilespmem:$0x1E800] =	vst v63  }
0xd0: {  	_ =	swait.ge [sflag:s23], $0x4000  }
.Ltmp6:
0xd1: {  	[sflag:s23] =	ssyncset.done $0x0;
	(pc) =	sbr.rel @p1 .LBB2_3-.Ltmp6, $4  }
0xd2: {  	s29 =	sadd.s32 $0x1480, s29;
	[sflag:s23] =	ssyncadd.s32 $0xFFFFC000  }
0xd3: {  	[spmem:s2] =	stream.indirect.scatter.add.f32 [tilespmem:s21], [sflag:$0x3], $0x80, s29, s19, $0xb8;
	[tilespmem:$0x1E800] =	vst v63  }
0xd4: {  	_ =	swait.ge [sflag:s17], $0x4000  }
0xd5: {  	s30 =	smov.u32 s4;
	s29 =	sshra.s32 s0, $0x2;
	[sflag:s17] =	ssyncset.done $0x0  }
0xd6: {  	s0 =	sadd.s32 $0x80, s29;
	[sflag:s17] =	ssyncadd.s32 $0xFFFFC000  }
0xd7: {  	[tilespmem:s21], [sflag:$0x2] =	stream.indirect.gather [hbm4b:s5+s19], $0x80, s0, s19, $0xb8;
	[tilespmem:$0x1E800] =	vst v63  }
0xd8: {  	_ =	swait.ge [sflag:s22], $0x4000  }
0xd9: {  	[sflag:s22] =	ssyncset.done $0x0  }
0xda: {  	s4 =	sadd.s32 $0x1400, s29;
	[sflag:s22] =	ssyncadd.s32 $0xFFFFC000  }
0xdb: {  	[spmem:s2] =	stream.indirect.scatter.add.f32 [tilespmem:s20], [sflag:$0x3], $0x80, s4, s19, $0xb8;
	[tilespmem:$0x1E800] =	vst v63  }
0xdc: {  	_ =	swait.ge [sflag:s17], $0x4000  }
0xdd: {  	[sflag:s17] =	ssyncset.done $0x0  }
0xde: {  	s31 =	sadd.s32 $0x100, s29;
	[sflag:s17] =	ssyncadd.s32 $0xFFFFC000  }
0xdf: {  	[tilespmem:s20], [sflag:$0x1] =	stream.indirect.gather [hbm4b:s5+s19], $0x80, s31, s19, $0xb8;
	[tilespmem:$0x1E800] =	vst v63  }
0xe0: {  	_ =	swait.ge [sflag:s23], $0x4000  }
0xe1: {  	[sflag:s23] =	ssyncset.done $0x0  }
0xe2: {  	s4 =	sadd.s32 $0x1480, s29;
	[sflag:s23] =	ssyncadd.s32 $0xFFFFC000  }
0xe3: {  	[spmem:s2] =	stream.indirect.scatter.add.f32 [tilespmem:s21], [sflag:$0x3], $0x80, s4, s19, $0xb8;
	[tilespmem:$0x1E800] =	vst v63  }
0xe4: {  	_ =	swait.ge [sflag:s17], $0x4000  }
0xe5: {  	[sflag:s17] =	ssyncset.done $0x0  }
0xe6: {  	[sflag:s17] =	ssyncadd.s32 $0xFFFFC000  }
0xe7: {  	[tilespmem:s21], [sflag:$0x2] =	stream.indirect.gather [hbm4b:s5+s19], $0x80, s24, s19, $0xb8;
	[tilespmem:$0x1E800] =	vst v63  }
0xe8: {  	_ =	swait.ge [sflag:s22], $0x4000  }
0xe9: {  	[sflag:s22] =	ssyncset.done $0x0  }
0xea: {  	[sflag:s22] =	ssyncadd.s32 $0xFFFFC000  }
0xeb: {  	[spmem:s2] =	stream.indirect.scatter.add.f32 [tilespmem:s20], [sflag:$0x3], $0x80, s25, s19, $0xb8;
	[tilespmem:$0x1E800] =	vst v63  }
0xec: {  	_ =	swait.ge [sflag:s17], $0x4000  }
0xed: {  	[sflag:s17] =	ssyncset.done $0x0  }
0xee: {  	[sflag:s17] =	ssyncadd.s32 $0xFFFFC000  }
0xef: {  	_ =	swait.ge [sflag:s23], $0x4000  }
0xf0: {  	[sflag:s23] =	ssyncset.done $0x0  }
0xf1: {  	[sflag:s23] =	ssyncadd.s32 $0xFFFFC000  }
0xf2: {  	[spmem:s2] =	stream.indirect.scatter.add.f32 [tilespmem:s21], [sflag:$0x3], $0x80, s26, s19, $0xb8;
	[tilespmem:$0x1E800] =	vst v63  }
0xf3: {  	_ =	swait.ge [sflag:s17], $0x4000  }
0xf4: {  	[sflag:s17] =	ssyncset.done $0x0  }
0xf5: {  	s31 =	simm.s32 $0x0;
	[sflag:s17] =	ssyncadd.s32 $0xFFFFC000  }
0xf6: {  	[tilespmem:s31], [sflag:$0x3] =	stream.linear.gather [hbm4b:s13+s31], $0x1400, $0x38;
	[tilespmem:$0x1E800] =	vst v63  }
0xf7: {  	_ =	swait.ge [sflag:s17], $0x1400  }
0xf8: {  	[sflag:s17] =	ssyncset.done $0x0  }
0xf9: {  	[sflag:s17] =	ssyncadd.s32 $0xFFFFEC00  }
0xfa: {  	[tilespmem:s18], [sflag:$0x3] =	stream.linear.gather [hbm4b:s14+s31], $0x1400, $0x38;
	[tilespmem:$0x1E800] =	vst v63  }
0xfb: {  	_ =	swait.ge [sflag:s17], $0x1400  }
0xfc: {  	[sflag:s17] =	ssyncset.done $0x0  }
0xfd: {  	[sflag:s17] =	ssyncadd.s32 $0xFFFFEC00  }
0xfe: {  	[tilespmem:s20], [sflag:$0x1] =	stream.indirect.gather [hbm4b:s5+s19], $0x80, s31, s19, $0xb8;
	[tilespmem:$0x1E800] =	vst v63  }
0xff: {  	s4 =	simm.s32 $0x80  }
0x100: {  	[tilespmem:s21], [sflag:$0x2] =	stream.indirect.gather [hbm4b:s5+s19], $0x80, s4, s19, $0xb8;
	[tilespmem:$0x1E800] =	vst v63  }
0x101: {  	_ =	swait.ge [sflag:s22], $0x4000  }
0x102: {  	[sflag:s22] =	ssyncset.done $0x0  }
0x103: {  	s31 =	simm.s32 $0x1400;
	[sflag:s22] =	ssyncadd.s32 $0xFFFFC000  }
0x104: {  	[spmem:s2] =	stream.indirect.scatter.add.f32 [tilespmem:s20], [sflag:$0x3], $0x80, s31, s19, $0xb8;
	[tilespmem:$0x1E800] =	vst v63  }
0x105: {  	_ =	swait.ge [sflag:s17], $0x4000  }
0x106: {  	[sflag:s17] =	ssyncset.done $0x0  }
0x107: {  	s4 =	simm.s32 $0x100;
	[sflag:s17] =	ssyncadd.s32 $0xFFFFC000  }
0x108: {  	[tilespmem:s20], [sflag:$0x1] =	stream.indirect.gather [hbm4b:s5+s19], $0x80, s4, s19, $0xb8;
	[tilespmem:$0x1E800] =	vst v63  }
0x109: {  	_ =	swait.ge [sflag:s23], $0x4000  }
0x10a: {  	[sflag:s23] =	ssyncset.done $0x0  }
0x10b: {  	s31 =	simm.s32 $0x1480;
	[sflag:s23] =	ssyncadd.s32 $0xFFFFC000  }
0x10c: {  	[spmem:s2] =	stream.indirect.scatter.add.f32 [tilespmem:s21], [sflag:$0x3], $0x80, s31, s19, $0xb8;
	[tilespmem:$0x1E800] =	vst v63  }
0x10d: {  	_ =	swait.ge [sflag:s17], $0x4000  }
0x10e: {  	s30 =	simm.s32 $0x800;
	s29 =	simm.s32 $0x100;
	[sflag:s17] =	ssyncset.done $0x0  }
.LBB2_5:
0x10f: {  	s0 =	sadd.s32 $0x80, s29  }
0x110: {  	[sflag:s17] =	ssyncadd.s32 $0xFFFFC000;
	s4 =	smov.u32 s30;
	s31 =	sadd.s32 $0x400, s30  }
0x111: {  	[tilespmem:s21], [sflag:$0x2] =	stream.indirect.gather [hbm4b:s5+s19], $0x80, s0, s19, $0xb8;
	[tilespmem:$0x1E800] =	vst v63  }
0x112: {  	p1 =	sne.s32 s30, $0x4800;
	_ =	swait.ge [sflag:s22], $0x4000  }
0x113: {  	[sflag:s22] =	ssyncset.done $0x0  }
0x114: {  	s0 =	sadd.s32 $0x1400, s29;
	[sflag:s22] =	ssyncadd.s32 $0xFFFFC000  }
0x115: {  	[spmem:s2] =	stream.indirect.scatter.add.f32 [tilespmem:s20], [sflag:$0x3], $0x80, s0, s19, $0xb8;
	[tilespmem:$0x1E800] =	vst v63  }
0x116: {  	_ =	swait.ge [sflag:s17], $0x4000  }
0x117: {  	[sflag:s17] =	ssyncset.done $0x0  }
0x118: {  	s0 =	sadd.s32 $0x100, s29;
	[sflag:s17] =	ssyncadd.s32 $0xFFFFC000  }
0x119: {  	[tilespmem:s20], [sflag:$0x1] =	stream.indirect.gather [hbm4b:s5+s19], $0x80, s0, s19, $0xb8;
	[tilespmem:$0x1E800] =	vst v63  }
0x11a: {  	_ =	swait.ge [sflag:s23], $0x4000  }
.Ltmp7:
0x11b: {  	[sflag:s23] =	ssyncset.done $0x0;
	(pc) =	sbr.rel @p1 .LBB2_5-.Ltmp7, $4  }
0x11c: {  	s0 =	sadd.s32 $0x1480, s29;
	[sflag:s23] =	ssyncadd.s32 $0xFFFFC000  }
0x11d: {  	[spmem:s2] =	stream.indirect.scatter.add.f32 [tilespmem:s21], [sflag:$0x3], $0x80, s0, s19, $0xb8;
	[tilespmem:$0x1E800] =	vst v63  }
0x11e: {  	_ =	swait.ge [sflag:s17], $0x4000  }
0x11f: {  	s30 =	smov.u32 s31;
	s29 =	sshra.s32 s4, $0x2;
	[sflag:s17] =	ssyncset.done $0x0  }
0x120: {  	s0 =	sadd.s32 $0x80, s29;
	[sflag:s17] =	ssyncadd.s32 $0xFFFFC000  }
0x121: {  	[tilespmem:s21], [sflag:$0x2] =	stream.indirect.gather [hbm4b:s5+s19], $0x80, s0, s19, $0xb8;
	[tilespmem:$0x1E800] =	vst v63  }
0x122: {  	_ =	swait.ge [sflag:s22], $0x4000  }
0x123: {  	[sflag:s22] =	ssyncset.done $0x0  }
0x124: {  	s4 =	sadd.s32 $0x1400, s29;
	[sflag:s22] =	ssyncadd.s32 $0xFFFFC000  }
0x125: {  	[spmem:s2] =	stream.indirect.scatter.add.f32 [tilespmem:s20], [sflag:$0x3], $0x80, s4, s19, $0xb8;
	[tilespmem:$0x1E800] =	vst v63  }
0x126: {  	_ =	swait.ge [sflag:s17], $0x4000  }
0x127: {  	[sflag:s17] =	ssyncset.done $0x0  }
0x128: {  	s30 =	sadd.s32 $0x100, s29;
	[sflag:s17] =	ssyncadd.s32 $0xFFFFC000  }
0x129: {  	[tilespmem:s20], [sflag:$0x1] =	stream.indirect.gather [hbm4b:s5+s19], $0x80, s30, s19, $0xb8;
	[tilespmem:$0x1E800] =	vst v63  }
0x12a: {  	_ =	swait.ge [sflag:s23], $0x4000  }
0x12b: {  	[sflag:s23] =	ssyncset.done $0x0  }
0x12c: {  	s31 =	sadd.s32 $0x1480, s29;
	[sflag:s23] =	ssyncadd.s32 $0xFFFFC000  }
0x12d: {  	[spmem:s2] =	stream.indirect.scatter.add.f32 [tilespmem:s21], [sflag:$0x3], $0x80, s31, s19, $0xb8;
	[tilespmem:$0x1E800] =	vst v63  }
.Ltmp8:
0x12e: {  	_ = 	snop;
	(pc) =	sbr.rel .LBB2_12-.Ltmp8, $4  }
0x12f: {  	_ =	swait.ge [sflag:s17], $0x4000  }
0x130: {  	[sflag:s17] =	ssyncset.done $0x0  }
0x131: {  	s29 =	smov.u32 s1;
	[sflag:s17] =	ssyncadd.s32 $0xFFFFC000  }
0x132: {  	[tilespmem:s21], [sflag:$0x2] =	stream.indirect.gather [hbm4b:s5+s19], $0x80, s24, s19, $0xb8;
	[tilespmem:$0x1E800] =	vst v63  }
.LBB2_13:
0x133: {  	_ =	sfence.sel $0x180000  }
0x134: {  	[bflag:$0x0] =	sbarrier.arrive $0xFFFF  }
0x135: {  	_ =	strace $0x9000004A  }
0x136: {  	s0 =	stileid.u32;
	[bflag:$0x2] =	sbarrier.arrive $0xFFFF  }
0x137: {  	p0 =	sne.s32 s0, $0x0;
	s0 =	rddreg [dreg:$0x3]  }
0x138: {  	s0 =	sadd.s32 @!p0 $0x100000, s0  }
0x139: {  	[sflag:s0] =	ssyncadd.tile.s32 @!p0 $0x1;
	_ =	shalt  }
.Lfunc_end2:
_tile_overlayer_lowered:
.L_overlay_start_2:
0x13a: {  	(tag) =	ssettag $0x2  }
0x13b: {  	s0 =	rddreg [dreg:$0x0];
	s2 =	stileid.u32  }
0x13c: {  	s1 =	rddreg [dreg:$0x1];
	p0 =	sne.s32 s2, $0x0  }
0x13d: {  	s3 =	rddreg [dreg:$0x2];
	[bflag:$0x3] =	sbarrier.arrive $0xFFFF;
	s2 =	simm.s32 @!p0 $0x1C03  }
0x13e: {  	[timem:s3], [sflag:s2] =	dma.local @!p0 [hbm:s0], s1  }
0x13f: {  	s0 =	simm.s32 @!p0 $0x3  }
0x140: {  	_ =	swait.ge @!p0 [sflag:s0], s1  }
0x141: {  	s1 =	ssub.s32 @!p0 $0x0, s1;
	[sflag:s0] =	ssyncset.done @!p0 $0x0  }
0x142: {  	[sflag:s0] =	ssyncadd.s32 @!p0 s1  }
0x143: {  	[bflag:$0x3] =	sbarrier.arrive $0xFFFF  }
0x144: {  	_ =	shalt  }

</sc_bundles>
